<compile_context>
chip_gen: v7x
topology: tpu7x:2x2x1
jax: 0.10.2.dev20260603
libtpu: 0.0.44.dev20260713+nightly
codegen_flags: <defaults>
</compile_context>

<pallas_src>
import jax
import jax.numpy as jnp
import numpy as np
from jax import lax
from jax.experimental import pallas as pl
from jax.experimental.pallas import tpu as pltpu
from jax.experimental.pallas import tpu_sc as plsc

B = 4
N = 16800
L = 16
NC = 1
NS = 16
WPB = 4
C = N // WPB
U = 2
NV = -(-C // L)
VAR0 = np.float32(0.1)
NEG_INF = np.float32(-np.inf)
IMAX = np.int32(2**31 - 1)

_MESH = plsc.VectorSubcoreMesh(
    core_axis_name="c", subcore_axis_name="s", num_cores=NC, num_subcores=NS
)


def _sc_body(scores_hbm, out_hbm, sbuf, mstage, istage, mload, iload, tmpf, tmpi):
    s = lax.axis_index("s")
    g = s // WPB
    w = s % WPB
    b = g
    base = w * C

    start = (2 * b + 1) * N + base
    a0 = (start // 8) * 8
    rem = start - a0
    pltpu.sync_copy(scores_hbm.at[pl.ds(a0, C + 4)], sbuf.at[pl.ds(0, C + 4)])

    lane = lax.iota(jnp.int32, L)
    lane_r = lane + rem

    def scan_vec(j, carry):
        run_max, run_idx = carry
        n = j * L + lane
        v = plsc.load_gather(sbuf, [j * L + lane_r])
        v = jnp.where(v > 0.0, v, NEG_INF)
        upd = v > run_max
        return jnp.where(upd, v, run_max), jnp.where(upd, base + n, run_idx)

    def step(i, chains):
        return tuple(scan_vec(i * U + k, chains[k]) for k in range(U))

    init = tuple(
        (jnp.full((L,), NEG_INF, jnp.float32), jnp.zeros((L,), jnp.int32))
        for _ in range(U)
    )
    nfull = (NV - 1) // U
    chains = lax.fori_loop(0, nfull, step, init)

    chains = tuple(
        scan_vec(nfull * U + k, chains[k]) if nfull * U + k < NV - 1 else chains[k]
        for k in range(U)
    )

    run_max, run_idx = chains[0]
    for m2, i2 in chains[1:]:
        upd = (m2 > run_max) | ((m2 == run_max) & (i2 < run_idx))
        run_max = jnp.where(upd, m2, run_max)
        run_idx = jnp.where(upd, i2, run_idx)

    n = (NV - 1) * L + lane
    v = plsc.load_gather(sbuf, [jnp.minimum(n, C - 1) + rem])
    v = jnp.where((v > 0.0) & (n < C), v, NEG_INF)
    upd = (v > run_max) | ((v == run_max) & (base + n < run_idx))
    run_max = jnp.where(upd, v, run_max)
    run_idx = jnp.where(upd, base + n, run_idx)

    tmpf[...] = run_max
    tmpi[...] = run_idx
    pltpu.sync_copy(tmpf, mstage.at[pl.ds(s * L, L)])
    pltpu.sync_copy(tmpi, istage.at[pl.ds(s * L, L)])
    plsc.subcore_barrier()

    @pl.when(w == 0)
    def _():
        pltpu.sync_copy(mstage.at[pl.ds(g * WPB * L, WPB * L)], mload)
        pltpu.sync_copy(istage.at[pl.ds(g * WPB * L, WPB * L)], iload)
        best_m = mload[pl.ds(0, L)]
        best_i = iload[pl.ds(0, L)]
        for k in range(1, WPB):
            m2 = mload[pl.ds(k * L, L)]
            i2 = iload[pl.ds(k * L, L)]
            upd = (m2 > best_m) | ((m2 == best_m) & (i2 < best_i))
            best_m = jnp.where(upd, m2, best_m)
            best_i = jnp.where(upd, i2, best_i)
        top = jnp.max(best_m, axis=0)
        cand = jnp.where(best_m == top, best_i, IMAX)
        tmpi[...] = jnp.min(cand, keepdims=True) + jnp.zeros((L,), jnp.int32)
        pltpu.sync_copy(tmpi, out_hbm.at[pl.ds(b * L, L)])


_sc_call = pl.kernel(
    _sc_body,
    out_type=jax.ShapeDtypeStruct((B * L,), jnp.int32),
    mesh=_MESH,
    compiler_params=pltpu.CompilerParams(
        needs_layout_passes=False, use_tc_tiling_on_sc=False
    ),
    scratch_types=[
        pltpu.VMEM((NV * L + 8,), jnp.float32),
        pltpu.VMEM_SHARED((NS * L,), jnp.float32),
        pltpu.VMEM_SHARED((NS * L,), jnp.int32),
        pltpu.VMEM((WPB * L,), jnp.float32),
        pltpu.VMEM((WPB * L,), jnp.int32),
        pltpu.VMEM((L,), jnp.float32),
        pltpu.VMEM((L,), jnp.int32),
    ],
)


_BLK = 128


def _tc_body(idx_ref, *refs):
    landms_refs = refs[:B]
    priors_refs = refs[B : 2 * B]
    out_ref = refs[2 * B]
    contract = (((1,), (1,)), ((), ()))
    kpar = lax.broadcasted_iota(jnp.int32, (1, L), 1) & 1
    nio = lax.broadcasted_iota(jnp.int32, (1, _BLK), 1)
    rows = []
    for b in range(B):
        idx = idx_ref[b * L]
        rel = lax.rem(idx, _BLK)
        mask1 = (nio == rel).astype(jnp.float32)
        valid = (idx - rel + nio) < N
        lmat = jnp.where(valid, landms_refs[b][:, b, :], 0.0)
        pmat = jnp.where(valid, priors_refs[b][...], 0.0)
        lv = lax.dot_general(
            mask1, lmat, contract,
            precision=lax.Precision.HIGHEST,
            preferred_element_type=jnp.float32,
        )
        pr = lax.dot_general(
            mask1, pmat, contract,
            precision=lax.Precision.HIGHEST,
            preferred_element_type=jnp.float32,
        )
        lv16 = jnp.concatenate([lv, jnp.zeros((1, L - 10), jnp.float32)], axis=1)
        pxy = jnp.where(kpar == 0, pr[:, 0:1], pr[:, 1:2])
        pwh = jnp.where(kpar == 0, pr[:, 2:3], pr[:, 3:4])
        rows.append(pxy + lv16 * VAR0 * pwh)
    out_ref[...] = jnp.concatenate(rows, axis=0)


def _lm_spec(b):
    return pl.BlockSpec(
        (10, B, _BLK), lambda i, idx_ref: (0, 0, idx_ref[b * L] // _BLK)
    )


def _pr_spec(b):
    return pl.BlockSpec((B, _BLK), lambda i, idx_ref: (0, idx_ref[b * L] // _BLK))


_tc_call = pl.pallas_call(
    _tc_body,
    grid_spec=pltpu.PrefetchScalarGridSpec(
        num_scalar_prefetch=1,
        grid=(1,),
        in_specs=[_lm_spec(b) for b in range(B)] + [_pr_spec(b) for b in range(B)],
        out_specs=pl.BlockSpec((B, L), lambda i, idx_ref: (0, 0)),
    ),
    out_shape=jax.ShapeDtypeStruct((B, L), jnp.float32),
)


def kernel(loc, conf, landms, priors):
    del loc
    conf_f = conf.transpose(0, 2, 1).reshape(-1)
    idx_arr = _sc_call(conf_f)
    landms_t = landms.transpose(2, 0, 1)
    priors_t = priors.transpose(1, 0)
    out = _tc_call(idx_arr, *([landms_t] * B), *([priors_t] * B))
    return out[:, :10]

# --- scband reference (transcript-rebuilt; emitter-appended) ---
"""Pipeline reference for scband-retina-face-pipeline-44006234915160 (READ-ONLY COPY).

The authoritative reference and input builder live on the scoring server;
editing this copy changes nothing except your own understanding.
"""

import jax, jax.numpy as jnp
import numpy as np

IMAGE_H = 640
IMAGE_W = 640
VAR0, VAR1 = 0.1, 0.2
CONF_THRESH = 0.0
NMS_THRESH = 0.4
MAX_KEEP = 50
B, N = 4, 16800


def setup_inputs(seed: int = 0) -> dict:
    key = jax.random.key(seed)
    k1, k2, k3, k4 = jax.random.split(key, 4)
    loc = jax.random.normal(k1, (B, N, 4), dtype=jnp.float32)
    conf = jax.random.uniform(k2, (B, N, 2), dtype=jnp.float32)
    landms = jax.random.normal(k3, (B, N, 10), dtype=jnp.float32)
    priors = jax.random.uniform(k4, (N, 4), dtype=jnp.float32)  # (cx, cy, w, h) in [0,1)
    return {"loc": loc, "conf": conf, "landms": landms, "priors": priors}


def decode(loc, priors):
    # RetinaFace box decode with variances (0.1, 0.2)
    cxcy = priors[:, :2] + loc[:, :2] * VAR0 * priors[:, 2:]
    wh = priors[:, 2:] * jnp.exp(loc[:, 2:] * VAR1)
    xy1 = cxcy - wh / 2.0
    xy2 = xy1 + wh
    return jnp.concatenate([xy1, xy2], axis=1)


def decode_landm(pre, priors):
    parts = [priors[:, :2] + pre[:, 2 * i:2 * i + 2] * VAR0 * priors[:, 2:] for i in range(5)]
    return jnp.concatenate(parts, axis=1)


def nms_keep(dets):
    # Iterative greedy NMS (faithful to py_cpu_nms), fixed MAX_KEEP iterations.
    x1, y1, x2, y2, scores = dets[:, 0], dets[:, 1], dets[:, 2], dets[:, 3], dets[:, 4]
    areas = (x2 - x1 + 1.0) * (y2 - y1 + 1.0)
    suppressed = jnp.zeros(scores.shape[0], dtype=bool)
    keep = []
    for _ in range(MAX_KEEP):
        masked = jnp.where(suppressed, -jnp.inf, scores)
        idx = jnp.argmax(masked)
        keep.append(idx)
        xx1 = jnp.maximum(x1[idx], x1)
        yy1 = jnp.maximum(y1[idx], y1)
        xx2 = jnp.minimum(x2[idx], x2)
        yy2 = jnp.minimum(y2[idx], y2)
        w = jnp.maximum(0.0, xx2 - xx1 + 1.0)
        h = jnp.maximum(0.0, yy2 - yy1 + 1.0)
        inter = w * h
        ovr = inter / (areas[idx] + areas - inter)
        suppressed = suppressed | (ovr > NMS_THRESH)
    return jnp.stack(keep)


def postprocess_one(loc_i, conf_i, landms_i, priors):
    scale = jnp.array([IMAGE_W, IMAGE_H, IMAGE_W, IMAGE_H], dtype=jnp.float32)
    scale1 = jnp.array([IMAGE_W, IMAGE_H] * 5, dtype=jnp.float32)
    boxes = decode(loc_i, priors) * scale
    scores = conf_i[:, 1]
    ldm = decode_landm(landms_i, priors) * scale1
    # confidence filtering (threshold=0.0) emulated via -inf masking (all uniform scores pass)
    scores_m = jnp.where(scores > CONF_THRESH, scores, -jnp.inf)
    dets = jnp.concatenate([boxes, scores_m[:, None]], axis=1)
    keep = nms_keep(dets)
    # parse_one_det_result: top-scoring kept det == global argmax (always survives NMS)
    top = keep[0]
    ldmks = ldm[top] / jnp.array([IMAGE_H, IMAGE_W] * 5, dtype=jnp.float32)
    return ldmks


def reference(loc, conf, landms, priors):
    outs = [postprocess_one(loc[b], conf[b], landms[b], priors) for b in range(loc.shape[0])]
    return jnp.stack(outs, axis=0)

if __name__ == "__main__":
    import jax
    _d = setup_inputs()
    print(jax.jit(kernel)(*tuple(_d.values())))

</pallas_src>

<mosaic_0001>
#map = affine_map<(d0, d1) -> (0)>
module attributes {stable_mosaic.version = 14 : i64} {
  func.func @_sc_body(%arg0: i32, %arg1: i32, %arg2: memref<134400xf32, #tpu.memory_space<hbm>>, %arg3: memref<64xi32, #tpu.memory_space<hbm>>, %arg4: memref<4216xf32, #tpu.memory_space<vmem>>, %arg5: memref<256xf32, #tpu.memory_space<vmem_shared>>, %arg6: memref<256xi32, #tpu.memory_space<vmem_shared>>, %arg7: memref<64xf32, #tpu.memory_space<vmem>>, %arg8: memref<64xi32, #tpu.memory_space<vmem>>, %arg9: memref<16xf32, #tpu.memory_space<vmem>>, %arg10: memref<16xi32, #tpu.memory_space<vmem>>) attributes {dimension_semantics = [#tpu.dimension_semantics<core_parallel>, #tpu.dimension_semantics<subcore_parallel>], iteration_bounds = array<i64: 1, 16>, scalar_prefetch = 0 : i64, scratch_operands = 7 : i64, tpu.core_type = #tpu.core_type<sc_vector_subcore>, window_params = [{transform_indices = #map}, {transform_indices = #map}]} {
    %jit3A = arith.constant 4 : i32
    %div3A = arith.divsi %arg1, %jit3A : i32
    %sign3A = arith.constant 0 : i32
    %sign3A_0 = arith.cmpi sgt, %arg1, %sign3A : i32
    %sign3A_1 = arith.extui %sign3A_0 : i1 to i32
    %sign3A_2 = arith.constant 0 : i32
    %sign3A_3 = arith.cmpi slt, %arg1, %sign3A_2 : i32
    %sign3A_4 = arith.extui %sign3A_3 : i1 to i32
    %sign3A_5 = arith.subi %sign3A_1, %sign3A_4 : i32
    %sign3A_6 = arith.constant 0 : i32
    %sign3A_7 = arith.cmpi sgt, %jit3A, %sign3A_6 : i32
    %sign3A_8 = arith.extui %sign3A_7 : i1 to i32
    %sign3A_9 = arith.constant 0 : i32
    %sign3A_10 = arith.cmpi slt, %jit3A, %sign3A_9 : i32
    %sign3A_11 = arith.extui %sign3A_10 : i1 to i32
    %sign3A_12 = arith.subi %sign3A_8, %sign3A_11 : i32
    %ne3A = arith.cmpi ne, %sign3A_5, %sign3A_12 : i32
    %rem3A = arith.remsi %arg1, %jit3A : i32
    %ne3A_13 = arith.constant 0 : i32
    %ne3A_14 = arith.cmpi ne, %rem3A, %ne3A_13 : i32
    %and3A = arith.andi %ne3A, %ne3A_14 : i1
    %sub3A = arith.constant 1 : i32
    %sub3A_15 = arith.subi %div3A, %sub3A : i32
    %select_n3A = arith.select %and3A, %sub3A_15, %div3A : i32
    %jit3A_16 = arith.constant 4 : i32
    %eq3A = arith.constant 0 : i32
    %eq3A_17 = arith.cmpi eq, %jit3A_16, %eq3A : i32
    %jit3A_18 = arith.constant 1 : i32
    %select_n3A_19 = arith.select %eq3A_17, %jit3A_18, %jit3A_16 : i32
    %rem3A_20 = arith.remsi %arg1, %select_n3A_19 : i32
    %ne3A_21 = arith.constant 0 : i32
    %ne3A_22 = arith.cmpi ne, %rem3A_20, %ne3A_21 : i32
    %lt3A = arith.constant 0 : i32
    %lt3A_23 = arith.cmpi slt, %rem3A_20, %lt3A : i32
    %lt3A_24 = arith.constant 0 : i32
    %lt3A_25 = arith.cmpi slt, %select_n3A_19, %lt3A_24 : i32
    %ne3A_26 = arith.xori %lt3A_23, %lt3A_25 : i1
    %and3A_27 = arith.andi %ne3A_26, %ne3A_22 : i1
    %add3A = arith.addi %rem3A_20, %select_n3A_19 : i32
    %select_n3A_28 = arith.select %and3A_27, %add3A, %rem3A_20 : i32
    %mul3A = arith.constant 4200 : i32
    %mul3A_29 = arith.muli %select_n3A_28, %mul3A : i32
    %mul3A_30 = arith.constant 2 : i32
    %mul3A_31 = arith.muli %mul3A_30, %select_n3A : i32
    %add3A_32 = arith.constant 1 : i32
    %add3A_33 = arith.addi %mul3A_31, %add3A_32 : i32
    %mul3A_34 = arith.constant 16800 : i32
    %mul3A_35 = arith.muli %add3A_33, %mul3A_34 : i32
    %add3A_36 = arith.addi %mul3A_35, %mul3A_29 : i32
    %jit3A_37 = arith.constant 8 : i32
    %div3A_38 = arith.divsi %add3A_36, %jit3A_37 : i32
    %sign3A_39 = arith.constant 0 : i32
    %sign3A_40 = arith.cmpi sgt, %add3A_36, %sign3A_39 : i32
    %sign3A_41 = arith.extui %sign3A_40 : i1 to i32
    %sign3A_42 = arith.constant 0 : i32
    %sign3A_43 = arith.cmpi slt, %add3A_36, %sign3A_42 : i32
    %sign3A_44 = arith.extui %sign3A_43 : i1 to i32
    %sign3A_45 = arith.subi %sign3A_41, %sign3A_44 : i32
    %sign3A_46 = arith.constant 0 : i32
    %sign3A_47 = arith.cmpi sgt, %jit3A_37, %sign3A_46 : i32
    %sign3A_48 = arith.extui %sign3A_47 : i1 to i32
    %sign3A_49 = arith.constant 0 : i32
    %sign3A_50 = arith.cmpi slt, %jit3A_37, %sign3A_49 : i32
    %sign3A_51 = arith.extui %sign3A_50 : i1 to i32
    %sign3A_52 = arith.subi %sign3A_48, %sign3A_51 : i32
    %ne3A_53 = arith.cmpi ne, %sign3A_45, %sign3A_52 : i32
    %rem3A_54 = arith.remsi %add3A_36, %jit3A_37 : i32
    %ne3A_55 = arith.constant 0 : i32
    %ne3A_56 = arith.cmpi ne, %rem3A_54, %ne3A_55 : i32
    %and3A_57 = arith.andi %ne3A_53, %ne3A_56 : i1
    %sub3A_58 = arith.constant 1 : i32
    %sub3A_59 = arith.subi %div3A_38, %sub3A_58 : i32
    %select_n3A_60 = arith.select %and3A_57, %sub3A_59, %div3A_38 : i32
    %mul3A_61 = arith.constant 8 : i32
    %mul3A_62 = arith.muli %select_n3A_60, %mul3A_61 : i32
    %sub3A_63 = arith.subi %add3A_36, %mul3A_62 : i32
    "tpu.region"() ({
      %run_scoped3A = tpu.sem_alloc : memref<!tpu.dma_semaphore, #tpu.memory_space<semaphore_mem>>
      %dma_start3A = arith.constant 0 : i32
      %dma_start3A_121 = tpu.memref_slice %arg4[%dma_start3A] : memref<4216xf32, #tpu.memory_space<vmem>> -> memref<4204xf32, #tpu.memory_space<vmem>>
      %dma_start3A_122 = tpu.memref_slice %arg2[%mul3A_62] : memref<134400xf32, #tpu.memory_space<hbm>> -> memref<4204xf32, #tpu.memory_space<hbm>>
      %dma_start3A_123 = arith.constant 0 : i32
      %dma_start3A_124 = tpu.memref_slice %arg4[%dma_start3A_123] : memref<4216xf32, #tpu.memory_space<vmem>> -> memref<4204xf32, #tpu.memory_space<vmem>>
      %dma_start3A_125 = tpu.memref_slice %arg2[%mul3A_62] : memref<134400xf32, #tpu.memory_space<hbm>> -> memref<4204xf32, #tpu.memory_space<hbm>>
      tpu.enqueue_dma source(%dma_start3A_125 : memref<4204xf32, #tpu.memory_space<hbm>>) target(%dma_start3A_124 : memref<4204xf32, #tpu.memory_space<vmem>>) target_semaphore(%run_scoped3A : memref<!tpu.dma_semaphore, #tpu.memory_space<semaphore_mem>>)
      %dma_wait3A = arith.constant 0 : i32
      %dma_wait3A_126 = tpu.memref_slice %arg4[%dma_wait3A] : memref<4216xf32, #tpu.memory_space<vmem>> -> memref<4204xf32, #tpu.memory_space<vmem>>
      %dma_wait3A_127 = tpu.memref_slice %arg2[%mul3A_62] : memref<134400xf32, #tpu.memory_space<hbm>> -> memref<4204xf32, #tpu.memory_space<hbm>>
      %dma_wait3A_128 = arith.constant 0 : i32
      %dma_wait3A_129 = tpu.memref_slice %arg4[%dma_wait3A_128] : memref<4216xf32, #tpu.memory_space<vmem>> -> memref<4204xf32, #tpu.memory_space<vmem>>
      %dma_wait3A_130 = tpu.memref_slice %arg2[%mul3A_62] : memref<134400xf32, #tpu.memory_space<hbm>> -> memref<4204xf32, #tpu.memory_space<hbm>>
      tpu.wait_dma2 semaphore(%run_scoped3A : memref<!tpu.dma_semaphore, #tpu.memory_space<semaphore_mem>>) src(%dma_wait3A_130 : memref<4204xf32, #tpu.memory_space<hbm>>) dst(%dma_wait3A_129 : memref<4204xf32, #tpu.memory_space<vmem>>)
      tpu.yield
    }) : () -> ()
    %iota3A = tpu.iota {dimensions = array<i32: 0>} : vector<16xi32>
    %add3A_64 = vector.broadcast %sub3A_63 : i32 to vector<16xi32>
    %add3A_65 = arith.addi %iota3A, %add3A_64 : vector<16xi32>
    %broadcast_in_dim3A = arith.constant 0xFF800000 : f32
    %broadcast_in_dim3A_66 = vector.broadcast %broadcast_in_dim3A : f32 to vector<16xf32>
    %broadcast_in_dim3A_67 = arith.constant 0 : i32
    %broadcast_in_dim3A_68 = vector.broadcast %broadcast_in_dim3A_67 : i32 to vector<16xi32>
    %broadcast_in_dim3A_69 = arith.constant 0xFF800000 : f32
    %broadcast_in_dim3A_70 = vector.broadcast %broadcast_in_dim3A_69 : f32 to vector<16xf32>
    %broadcast_in_dim3A_71 = arith.constant 0 : i32
    %broadcast_in_dim3A_72 = vector.broadcast %broadcast_in_dim3A_71 : i32 to vector<16xi32>
    %scan3A = arith.constant 0 : i32
    %scan3A_73 = arith.constant 131 : i32
    %scan3A_74 = arith.addi %scan3A, %scan3A_73 : i32
    %scan3A_75 = arith.constant 1 : i32
    %scan3A_76:4 = scf.for %scan3A_121 = %scan3A to %scan3A_74 step %scan3A_75 iter_args(%scan3A_122 = %broadcast_in_dim3A_66, %scan3A_123 = %broadcast_in_dim3A_68, %scan3A_124 = %broadcast_in_dim3A_70, %scan3A_125 = %broadcast_in_dim3A_72) -> (vector<16xf32>, vector<16xi32>, vector<16xf32>, vector<16xi32>)  : i32 {
      %mul3A_126 = arith.constant 2 : i32
      %mul3A_127 = arith.muli %scan3A_121, %mul3A_126 : i32
      %add3A_128 = arith.constant 0 : i32
      %add3A_129 = arith.addi %mul3A_127, %add3A_128 : i32
      %mul3A_130 = arith.constant 16 : i32
      %mul3A_131 = arith.muli %add3A_129, %mul3A_130 : i32
      %add3A_132 = vector.broadcast %mul3A_131 : i32 to vector<16xi32>
      %add3A_133 = arith.addi %add3A_132, %iota3A : vector<16xi32>
      %mul3A_134 = arith.constant 16 : i32
      %mul3A_135 = arith.muli %add3A_129, %mul3A_134 : i32
      %add3A_136 = vector.broadcast %mul3A_135 : i32 to vector<16xi32>
      %add3A_137 = arith.addi %add3A_136, %add3A_65 : vector<16xi32>
      %gather3A_138 = tpu.vector_load_idx %arg4[%add3A_137] : memref<4216xf32, #tpu.memory_space<vmem>>[vector<16xi32>], vector<16xf32>,
      %gt3A_139 = arith.constant 0.000000e+00 : f32
      %gt3A_140 = vector.broadcast %gt3A_139 : f32 to vector<16xf32>
      %gt3A_141 = arith.cmpf ogt, %gather3A_138, %gt3A_140 : vector<16xf32>
      %jit3A_142 = arith.constant 0xFF800000 : f32
      %broadcast_in_dim3A_143 = vector.broadcast %jit3A_142 : f32 to vector<16xf32>
      %select_n3A_144 = arith.select %gt3A_141, %gather3A_138, %broadcast_in_dim3A_143 : vector<16xi1>, vector<16xf32>
      %gt3A_145 = arith.cmpf ogt, %select_n3A_144, %scan3A_122 : vector<16xf32>
      %select_n3A_146 = arith.select %gt3A_145, %select_n3A_144, %scan3A_122 : vector<16xi1>, vector<16xf32>
      %add3A_147 = vector.broadcast %mul3A_29 : i32 to vector<16xi32>
      %add3A_148 = arith.addi %add3A_147, %add3A_133 : vector<16xi32>
      %select_n3A_149 = arith.select %gt3A_145, %add3A_148, %scan3A_123 : vector<16xi1>, vector<16xi32>
      %mul3A_150 = arith.constant 2 : i32
      %mul3A_151 = arith.muli %scan3A_121, %mul3A_150 : i32
      %add3A_152 = arith.constant 1 : i32
      %add3A_153 = arith.addi %mul3A_151, %add3A_152 : i32
      %mul3A_154 = arith.constant 16 : i32
      %mul3A_155 = arith.muli %add3A_153, %mul3A_154 : i32
      %add3A_156 = vector.broadcast %mul3A_155 : i32 to vector<16xi32>
      %add3A_157 = arith.addi %add3A_156, %iota3A : vector<16xi32>
      %mul3A_158 = arith.constant 16 : i32
      %mul3A_159 = arith.muli %add3A_153, %mul3A_158 : i32
      %add3A_160 = vector.broadcast %mul3A_159 : i32 to vector<16xi32>
      %add3A_161 = arith.addi %add3A_160, %add3A_65 : vector<16xi32>
      %gather3A_162 = tpu.vector_load_idx %arg4[%add3A_161] : memref<4216xf32, #tpu.memory_space<vmem>>[vector<16xi32>], vector<16xf32>,
      %gt3A_163 = arith.constant 0.000000e+00 : f32
      %gt3A_164 = vector.broadcast %gt3A_163 : f32 to vector<16xf32>
      %gt3A_165 = arith.cmpf ogt, %gather3A_162, %gt3A_164 : vector<16xf32>
      %jit3A_166 = arith.constant 0xFF800000 : f32
      %broadcast_in_dim3A_167 = vector.broadcast %jit3A_166 : f32 to vector<16xf32>
      %select_n3A_168 = arith.select %gt3A_165, %gather3A_162, %broadcast_in_dim3A_167 : vector<16xi1>, vector<16xf32>
      %gt3A_169 = arith.cmpf ogt, %select_n3A_168, %scan3A_124 : vector<16xf32>
      %select_n3A_170 = arith.select %gt3A_169, %select_n3A_168, %scan3A_124 : vector<16xi1>, vector<16xf32>
      %add3A_171 = vector.broadcast %mul3A_29 : i32 to vector<16xi32>
      %add3A_172 = arith.addi %add3A_171, %add3A_157 : vector<16xi32>
      %select_n3A_173 = arith.select %gt3A_169, %add3A_172, %scan3A_125 : vector<16xi1>, vector<16xi32>
      scf.yield %select_n3A_146, %select_n3A_149, %select_n3A_170, %select_n3A_173 : vector<16xf32>, vector<16xi32>, vector<16xf32>, vector<16xi32>
    }
    %scan3A_77 = arith.constant 131 : i32
    %gt3A = arith.cmpf ogt, %scan3A_76#2, %scan3A_76#0 : vector<16xf32>
    %eq3A_78 = arith.cmpf oeq, %scan3A_76#2, %scan3A_76#0 : vector<16xf32>
    %lt3A_79 = arith.cmpi slt, %scan3A_76#3, %scan3A_76#1 : vector<16xi32>
    %and3A_80 = arith.andi %eq3A_78, %lt3A_79 : vector<16xi1>
    %or3A = arith.ori %gt3A, %and3A_80 : vector<16xi1>
    %select_n3A_81 = arith.select %or3A, %scan3A_76#2, %scan3A_76#0 : vector<16xi1>, vector<16xf32>
    %select_n3A_82 = arith.select %or3A, %scan3A_76#3, %scan3A_76#1 : vector<16xi1>, vector<16xi32>
    %add3A_83 = arith.constant 4192 : i32
    %add3A_84 = vector.broadcast %add3A_83 : i32 to vector<16xi32>
    %add3A_85 = arith.addi %add3A_84, %iota3A : vector<16xi32>
    %min3A = arith.constant 4199 : i32
    %min3A_86 = vector.broadcast %min3A : i32 to vector<16xi32>
    %min3A_87 = arith.minsi %add3A_85, %min3A_86 : vector<16xi32>
    %add3A_88 = vector.broadcast %sub3A_63 : i32 to vector<16xi32>
    %add3A_89 = arith.addi %min3A_87, %add3A_88 : vector<16xi32>
    %gather3A = tpu.vector_load_idx %arg4[%add3A_89] : memref<4216xf32, #tpu.memory_space<vmem>>[vector<16xi32>], vector<16xf32>,
    %gt3A_90 = arith.constant 0.000000e+00 : f32
    %gt3A_91 = vector.broadcast %gt3A_90 : f32 to vector<16xf32>
    %gt3A_92 = arith.cmpf ogt, %gather3A, %gt3A_91 : vector<16xf32>
    %lt3A_93 = arith.constant 4200 : i32
    %lt3A_94 = vector.broadcast %lt3A_93 : i32 to vector<16xi32>
    %lt3A_95 = arith.cmpi slt, %add3A_85, %lt3A_94 : vector<16xi32>
    %and3A_96 = arith.andi %gt3A_92, %lt3A_95 : vector<16xi1>
    %jit3A_97 = arith.constant 0xFF800000 : f32
    %broadcast_in_dim3A_98 = vector.broadcast %jit3A_97 : f32 to vector<16xf32>
    %select_n3A_99 = arith.select %and3A_96, %gather3A, %broadcast_in_dim3A_98 : vector<16xi1>, vector<16xf32>
    %gt3A_100 = arith.cmpf ogt, %select_n3A_99, %select_n3A_81 : vector<16xf32>
    %eq3A_101 = arith.cmpf oeq, %select_n3A_99, %select_n3A_81 : vector<16xf32>
    %add3A_102 = vector.broadcast %mul3A_29 : i32 to vector<16xi32>
    %add3A_103 = arith.addi %add3A_102, %add3A_85 : vector<16xi32>
    %lt3A_104 = arith.cmpi slt, %add3A_103, %select_n3A_82 : vector<16xi32>
    %and3A_105 = arith.andi %eq3A_101, %lt3A_104 : vector<16xi1>
    %or3A_106 = arith.ori %gt3A_100, %and3A_105 : vector<16xi1>
    %select_n3A_107 = arith.select %or3A_106, %select_n3A_99, %select_n3A_81 : vector<16xi1>, vector<16xf32>
    %add3A_108 = vector.broadcast %mul3A_29 : i32 to vector<16xi32>
    %add3A_109 = arith.addi %add3A_108, %add3A_85 : vector<16xi32>
    %select_n3A_110 = arith.select %or3A_106, %add3A_109, %select_n3A_82 : vector<16xi1>, vector<16xi32>
    %swap3A = arith.constant 0 : index
    %swap3A_111 = tpu.vector_load %arg9[%swap3A] {strides = array<i32>} : memref<16xf32, #tpu.memory_space<vmem>>, vector<16xf32>,
    tpu.vector_store %arg9[%swap3A], %select_n3A_107 {strides = array<i32>} : memref<16xf32, #tpu.memory_space<vmem>>, vector<16xf32>,
    %swap3A_112 = arith.constant 0 : index
    %swap3A_113 = tpu.vector_load %arg10[%swap3A_112] {strides = array<i32>} : memref<16xi32, #tpu.memory_space<vmem>>, vector<16xi32>,
    tpu.vector_store %arg10[%swap3A_112], %select_n3A_110 {strides = array<i32>} : memref<16xi32, #tpu.memory_space<vmem>>, vector<16xi32>,
    %mul3A_114 = arith.constant 16 : i32
    %mul3A_115 = arith.muli %arg1, %mul3A_114 : i32
    "tpu.region"() ({
      %run_scoped3A = tpu.sem_alloc : memref<!tpu.dma_semaphore, #tpu.memory_space<semaphore_mem>>
      %dma_start3A = tpu.memref_slice %arg5[%mul3A_115] : memref<256xf32, #tpu.memory_space<vmem_shared>> -> memref<16xf32, #tpu.memory_space<vmem_shared>>
      %dma_start3A_121 = tpu.memref_slice %arg5[%mul3A_115] : memref<256xf32, #tpu.memory_space<vmem_shared>> -> memref<16xf32, #tpu.memory_space<vmem_shared>>
      tpu.enqueue_dma source(%arg9 : memref<16xf32, #tpu.memory_space<vmem>>) target(%dma_start3A_121 : memref<16xf32, #tpu.memory_space<vmem_shared>>) target_semaphore(%run_scoped3A : memref<!tpu.dma_semaphore, #tpu.memory_space<semaphore_mem>>)
      %dma_wait3A = tpu.memref_slice %arg5[%mul3A_115] : memref<256xf32, #tpu.memory_space<vmem_shared>> -> memref<16xf32, #tpu.memory_space<vmem_shared>>
      %dma_wait3A_122 = tpu.memref_slice %arg5[%mul3A_115] : memref<256xf32, #tpu.memory_space<vmem_shared>> -> memref<16xf32, #tpu.memory_space<vmem_shared>>
      tpu.wait_dma2 semaphore(%run_scoped3A : memref<!tpu.dma_semaphore, #tpu.memory_space<semaphore_mem>>) src(%arg9 : memref<16xf32, #tpu.memory_space<vmem>>) dst(%dma_wait3A_122 : memref<16xf32, #tpu.memory_space<vmem_shared>>)
      tpu.yield
    }) : () -> ()
    %mul3A_116 = arith.constant 16 : i32
    %mul3A_117 = arith.muli %arg1, %mul3A_116 : i32
    "tpu.region"() ({
      %run_scoped3A = tpu.sem_alloc : memref<!tpu.dma_semaphore, #tpu.memory_space<semaphore_mem>>
      %dma_start3A = tpu.memref_slice %arg6[%mul3A_117] : memref<256xi32, #tpu.memory_space<vmem_shared>> -> memref<16xi32, #tpu.memory_space<vmem_shared>>
      %dma_start3A_121 = tpu.memref_slice %arg6[%mul3A_117] : memref<256xi32, #tpu.memory_space<vmem_shared>> -> memref<16xi32, #tpu.memory_space<vmem_shared>>
      tpu.enqueue_dma source(%arg10 : memref<16xi32, #tpu.memory_space<vmem>>) target(%dma_start3A_121 : memref<16xi32, #tpu.memory_space<vmem_shared>>) target_semaphore(%run_scoped3A : memref<!tpu.dma_semaphore, #tpu.memory_space<semaphore_mem>>)
      %dma_wait3A = tpu.memref_slice %arg6[%mul3A_117] : memref<256xi32, #tpu.memory_space<vmem_shared>> -> memref<16xi32, #tpu.memory_space<vmem_shared>>
      %dma_wait3A_122 = tpu.memref_slice %arg6[%mul3A_117] : memref<256xi32, #tpu.memory_space<vmem_shared>> -> memref<16xi32, #tpu.memory_space<vmem_shared>>
      tpu.wait_dma2 semaphore(%run_scoped3A : memref<!tpu.dma_semaphore, #tpu.memory_space<semaphore_mem>>) src(%arg10 : memref<16xi32, #tpu.memory_space<vmem>>) dst(%dma_wait3A_122 : memref<16xi32, #tpu.memory_space<vmem_shared>>)
      tpu.yield
    }) : () -> ()
    %barrier3A = arith.constant 0 : index
    tpu.barrier barrier_id(%barrier3A)
    %eq3A_118 = arith.constant 0 : i32
    %eq3A_119 = arith.cmpi eq, %select_n3A_28, %eq3A_118 : i32
    %convert_element_type3A = arith.extui %eq3A_119 : i1 to i32
    %cond3A = arith.constant 0 : i32
    %cond3A_120 = arith.cmpi ne, %convert_element_type3A, %cond3A : i32
    scf.if %cond3A_120 {
      %mul3A_121 = arith.constant 4 : i32
      %mul3A_122 = arith.muli %select_n3A, %mul3A_121 : i32
      %mul3A_123 = arith.constant 16 : i32
      %mul3A_124 = arith.muli %mul3A_122, %mul3A_123 : i32
      "tpu.region"() ({
        %run_scoped3A = tpu.sem_alloc : memref<!tpu.dma_semaphore, #tpu.memory_space<semaphore_mem>>
        %dma_start3A = tpu.memref_slice %arg5[%mul3A_124] : memref<256xf32, #tpu.memory_space<vmem_shared>> -> memref<64xf32, #tpu.memory_space<vmem_shared>>
        %dma_start3A_189 = tpu.memref_slice %arg5[%mul3A_124] : memref<256xf32, #tpu.memory_space<vmem_shared>> -> memref<64xf32, #tpu.memory_space<vmem_shared>>
        tpu.enqueue_dma source(%dma_start3A_189 : memref<64xf32, #tpu.memory_space<vmem_shared>>) target(%arg7 : memref<64xf32, #tpu.memory_space<vmem>>) target_semaphore(%run_scoped3A : memref<!tpu.dma_semaphore, #tpu.memory_space<semaphore_mem>>)
        %dma_wait3A = tpu.memref_slice %arg5[%mul3A_124] : memref<256xf32, #tpu.memory_space<vmem_shared>> -> memref<64xf32, #tpu.memory_space<vmem_shared>>
        %dma_wait3A_190 = tpu.memref_slice %arg5[%mul3A_124] : memref<256xf32, #tpu.memory_space<vmem_shared>> -> memref<64xf32, #tpu.memory_space<vmem_shared>>
        tpu.wait_dma2 semaphore(%run_scoped3A : memref<!tpu.dma_semaphore, #tpu.memory_space<semaphore_mem>>) src(%dma_wait3A_190 : memref<64xf32, #tpu.memory_space<vmem_shared>>) dst(%arg7 : memref<64xf32, #tpu.memory_space<vmem>>)
        tpu.yield
      }) : () -> ()
      %mul3A_125 = arith.constant 4 : i32
      %mul3A_126 = arith.muli %select_n3A, %mul3A_125 : i32
      %mul3A_127 = arith.constant 16 : i32
      %mul3A_128 = arith.muli %mul3A_126, %mul3A_127 : i32
      "tpu.region"() ({
        %run_scoped3A = tpu.sem_alloc : memref<!tpu.dma_semaphore, #tpu.memory_space<semaphore_mem>>
        %dma_start3A = tpu.memref_slice %arg6[%mul3A_128] : memref<256xi32, #tpu.memory_space<vmem_shared>> -> memref<64xi32, #tpu.memory_space<vmem_shared>>
        %dma_start3A_189 = tpu.memref_slice %arg6[%mul3A_128] : memref<256xi32, #tpu.memory_space<vmem_shared>> -> memref<64xi32, #tpu.memory_space<vmem_shared>>
        tpu.enqueue_dma source(%dma_start3A_189 : memref<64xi32, #tpu.memory_space<vmem_shared>>) target(%arg8 : memref<64xi32, #tpu.memory_space<vmem>>) target_semaphore(%run_scoped3A : memref<!tpu.dma_semaphore, #tpu.memory_space<semaphore_mem>>)
        %dma_wait3A = tpu.memref_slice %arg6[%mul3A_128] : memref<256xi32, #tpu.memory_space<vmem_shared>> -> memref<64xi32, #tpu.memory_space<vmem_shared>>
        %dma_wait3A_190 = tpu.memref_slice %arg6[%mul3A_128] : memref<256xi32, #tpu.memory_space<vmem_shared>> -> memref<64xi32, #tpu.memory_space<vmem_shared>>
        tpu.wait_dma2 semaphore(%run_scoped3A : memref<!tpu.dma_semaphore, #tpu.memory_space<semaphore_mem>>) src(%dma_wait3A_190 : memref<64xi32, #tpu.memory_space<vmem_shared>>) dst(%arg8 : memref<64xi32, #tpu.memory_space<vmem>>)
        tpu.yield
      }) : () -> ()
      %get3A = arith.constant 0 : index
      %get3A_129 = tpu.vector_load %arg7[%get3A] {strides = array<i32>} : memref<64xf32, #tpu.memory_space<vmem>>, vector<16xf32>,
      %get3A_130 = arith.constant 0 : index
      %get3A_131 = tpu.vector_load %arg8[%get3A_130] {strides = array<i32>} : memref<64xi32, #tpu.memory_space<vmem>>, vector<16xi32>,
      %get3A_132 = arith.constant 16 : index
      %get3A_133 = tpu.vector_load %arg7[%get3A_132] {strides = array<i32>} : memref<64xf32, #tpu.memory_space<vmem>>, vector<16xf32>,
      %get3A_134 = arith.constant 16 : index
      %get3A_135 = tpu.vector_load %arg8[%get3A_134] {strides = array<i32>} : memref<64xi32, #tpu.memory_space<vmem>>, vector<16xi32>,
      %gt3A_136 = arith.cmpf ogt, %get3A_133, %get3A_129 : vector<16xf32>
      %eq3A_137 = arith.cmpf oeq, %get3A_133, %get3A_129 : vector<16xf32>
      %lt3A_138 = arith.cmpi slt, %get3A_135, %get3A_131 : vector<16xi32>
      %and3A_139 = arith.andi %eq3A_137, %lt3A_138 : vector<16xi1>
      %or3A_140 = arith.ori %gt3A_136, %and3A_139 : vector<16xi1>
      %select_n3A_141 = arith.select %or3A_140, %get3A_133, %get3A_129 : vector<16xi1>, vector<16xf32>
      %select_n3A_142 = arith.select %or3A_140, %get3A_135, %get3A_131 : vector<16xi1>, vector<16xi32>
      %get3A_143 = arith.constant 32 : index
      %get3A_144 = tpu.vector_load %arg7[%get3A_143] {strides = array<i32>} : memref<64xf32, #tpu.memory_space<vmem>>, vector<16xf32>,
      %get3A_145 = arith.constant 32 : index
      %get3A_146 = tpu.vector_load %arg8[%get3A_145] {strides = array<i32>} : memref<64xi32, #tpu.memory_space<vmem>>, vector<16xi32>,
      %gt3A_147 = arith.cmpf ogt, %get3A_144, %select_n3A_141 : vector<16xf32>
      %eq3A_148 = arith.cmpf oeq, %get3A_144, %select_n3A_141 : vector<16xf32>
      %lt3A_149 = arith.cmpi slt, %get3A_146, %select_n3A_142 : vector<16xi32>
      %and3A_150 = arith.andi %eq3A_148, %lt3A_149 : vector<16xi1>
      %or3A_151 = arith.ori %gt3A_147, %and3A_150 : vector<16xi1>
      %select_n3A_152 = arith.select %or3A_151, %get3A_144, %select_n3A_141 : vector<16xi1>, vector<16xf32>
      %select_n3A_153 = arith.select %or3A_151, %get3A_146, %select_n3A_142 : vector<16xi1>, vector<16xi32>
      %get3A_154 = arith.constant 48 : index
      %get3A_155 = tpu.vector_load %arg7[%get3A_154] {strides = array<i32>} : memref<64xf32, #tpu.memory_space<vmem>>, vector<16xf32>,
      %get3A_156 = arith.constant 48 : index
      %get3A_157 = tpu.vector_load %arg8[%get3A_156] {strides = array<i32>} : memref<64xi32, #tpu.memory_space<vmem>>, vector<16xi32>,
      %gt3A_158 = arith.cmpf ogt, %get3A_155, %select_n3A_152 : vector<16xf32>
      %eq3A_159 = arith.cmpf oeq, %get3A_155, %select_n3A_152 : vector<16xf32>
      %lt3A_160 = arith.cmpi slt, %get3A_157, %select_n3A_153 : vector<16xi32>
      %and3A_161 = arith.andi %eq3A_159, %lt3A_160 : vector<16xi1>
      %or3A_162 = arith.ori %gt3A_158, %and3A_161 : vector<16xi1>
      %select_n3A_163 = arith.select %or3A_162, %get3A_155, %select_n3A_152 : vector<16xi1>, vector<16xf32>
      %select_n3A_164 = arith.select %or3A_162, %get3A_157, %select_n3A_153 : vector<16xi1>, vector<16xi32>
      %reduce_max3A = arith.constant true
      %reduce_max3A_165 = vector.broadcast %reduce_max3A : i1 to vector<16xi1>
      %reduce_max3A_166 = tpu.scan <max>, %select_n3A_163 masked %reduce_max3A_165 : vector<16xf32>, vector<16xi1> -> vector<16xf32>
      %reduce_max3A_167 = vector.extract %reduce_max3A_166[15] : f32 from vector<16xf32>
      %eq3A_168 = vector.broadcast %reduce_max3A_167 : f32 to vector<16xf32>
      %eq3A_169 = arith.cmpf oeq, %select_n3A_163, %eq3A_168 : vector<16xf32>
      %jit3A_170 = arith.constant 2147483647 : i32
      %broadcast_in_dim3A_171 = vector.broadcast %jit3A_170 : i32 to vector<16xi32>
      %select_n3A_172 = arith.select %eq3A_169, %select_n3A_164, %broadcast_in_dim3A_171 : vector<16xi1>, vector<16xi32>
      %reduce_min3A = arith.constant true
      %reduce_min3A_173 = vector.broadcast %reduce_min3A : i1 to vector<16xi1>
      %reduce_min3A_174 = arith.constant -2147483648 : i32
      %reduce_min3A_175 = vector.broadcast %reduce_min3A_174 : i32 to vector<16xi32>
      %reduce_min3A_176 = arith.xori %select_n3A_172, %reduce_min3A_175 : vector<16xi32>
      %reduce_min3A_177 = tpu.scan <min>, %reduce_min3A_176 masked %reduce_min3A_173 : vector<16xi32>, vector<16xi1> -> vector<16xi32>
      %reduce_min3A_178 = arith.xori %reduce_min3A_177, %reduce_min3A_175 : vector<16xi32>
      %reduce_min3A_179 = vector.extract %reduce_min3A_178[15] : i32 from vector<16xi32>
      %broadcast_in_dim3A_180 = vector.broadcast %reduce_min3A_179 : i32 to vector<1xi32>
      %broadcast_in_dim3A_181 = arith.constant 0 : i32
      %broadcast_in_dim3A_182 = vector.broadcast %broadcast_in_dim3A_181 : i32 to vector<16xi32>
      %add3A_183 = vector.broadcast %broadcast_in_dim3A_180 : vector<1xi32> to vector<16xi32>
      %add3A_184 = arith.addi %add3A_183, %broadcast_in_dim3A_182 : vector<16xi32>
      %swap3A_185 = arith.constant 0 : index
      %swap3A_186 = tpu.vector_load %arg10[%swap3A_185] {strides = array<i32>} : memref<16xi32, #tpu.memory_space<vmem>>, vector<16xi32>,
      tpu.vector_store %arg10[%swap3A_185], %add3A_184 {strides = array<i32>} : memref<16xi32, #tpu.memory_space<vmem>>, vector<16xi32>,
      %mul3A_187 = arith.constant 16 : i32
      %mul3A_188 = arith.muli %select_n3A, %mul3A_187 : i32
      "tpu.region"() ({
        %run_scoped3A = tpu.sem_alloc : memref<!tpu.dma_semaphore, #tpu.memory_space<semaphore_mem>>
        %dma_start3A = tpu.memref_slice %arg3[%mul3A_188] : memref<64xi32, #tpu.memory_space<hbm>> -> memref<16xi32, #tpu.memory_space<hbm>>
        %dma_start3A_189 = tpu.memref_slice %arg3[%mul3A_188] : memref<64xi32, #tpu.memory_space<hbm>> -> memref<16xi32, #tpu.memory_space<hbm>>
        tpu.enqueue_dma source(%arg10 : memref<16xi32, #tpu.memory_space<vmem>>) target(%dma_start3A_189 : memref<16xi32, #tpu.memory_space<hbm>>) target_semaphore(%run_scoped3A : memref<!tpu.dma_semaphore, #tpu.memory_space<semaphore_mem>>)
        %dma_wait3A = tpu.memref_slice %arg3[%mul3A_188] : memref<64xi32, #tpu.memory_space<hbm>> -> memref<16xi32, #tpu.memory_space<hbm>>
        %dma_wait3A_190 = tpu.memref_slice %arg3[%mul3A_188] : memref<64xi32, #tpu.memory_space<hbm>> -> memref<16xi32, #tpu.memory_space<hbm>>
        tpu.wait_dma2 semaphore(%run_scoped3A : memref<!tpu.dma_semaphore, #tpu.memory_space<semaphore_mem>>) src(%arg10 : memref<16xi32, #tpu.memory_space<vmem>>) dst(%dma_wait3A_190 : memref<16xi32, #tpu.memory_space<hbm>>)
        tpu.yield
      }) : () -> ()
    } else {
    }
    return
  }
}

module attributes {stable_mosaic.version = 14 : i64} {
  func.func @_tc_body(%arg0: i32, %arg1: memref<64xi32, #tpu.memory_space<smem>>, %arg2: memref<10x4x128xf32, #tpu.memory_space<vmem>>, %arg3: memref<10x4x128xf32, #tpu.memory_space<vmem>>, %arg4: memref<10x4x128xf32, #tpu.memory_space<vmem>>, %arg5: memref<10x4x128xf32, #tpu.memory_space<vmem>>, %arg6: memref<4x128xf32, #tpu.memory_space<vmem>>, %arg7: memref<4x128xf32, #tpu.memory_space<vmem>>, %arg8: memref<4x128xf32, #tpu.memory_space<vmem>>, %arg9: memref<4x128xf32, #tpu.memory_space<vmem>>, %arg10: memref<4x16xf32, #tpu.memory_space<vmem>>) attributes {dimension_semantics = [#tpu.dimension_semantics<arbitrary>], iteration_bounds = array<i64: 1>, scalar_prefetch = 1 : i64, scratch_operands = 0 : i64, tpu.core_type = #tpu.core_type<tc>, window_params = [{transform_indices = @transform_0, window_bounds = array<i64: 10, 4, 128>}, {transform_indices = @transform_1, window_bounds = array<i64: 10, 4, 128>}, {transform_indices = @transform_2, window_bounds = array<i64: 10, 4, 128>}, {transform_indices = @transform_3, window_bounds = array<i64: 10, 4, 128>}, {transform_indices = @transform_4, window_bounds = array<i64: 4, 128>}, {transform_indices = @transform_5, window_bounds = array<i64: 4, 128>}, {transform_indices = @transform_6, window_bounds = array<i64: 4, 128>}, {transform_indices = @transform_7, window_bounds = array<i64: 4, 128>}, {pipeline_mode = #tpu.pipeline_mode<synchronous>, transform_indices = @transform_8, window_bounds = array<i64: 4, 16>}]} {
    %iota3A = tpu.iota {dimensions = array<i32: 1>} : vector<1x16xi32>
    %and3A = arith.constant 1 : i32
    %and3A_0 = vector.broadcast %and3A : i32 to vector<1x16xi32>
    %and3A_1 = arith.andi %iota3A, %and3A_0 : vector<1x16xi32>
    %iota3A_2 = tpu.iota {dimensions = array<i32: 1>} : vector<1x128xi32>
    %get3A = arith.constant 0 : index
    %get3A_3 = memref.load %arg1[%get3A] : memref<64xi32, #tpu.memory_space<smem>>
    %rem3A = arith.constant 128 : i32
    %rem3A_4 = arith.remsi %get3A_3, %rem3A : i32
    %eq3A = vector.broadcast %rem3A_4 : i32 to vector<1x128xi32>
    %eq3A_5 = arith.cmpi eq, %iota3A_2, %eq3A : vector<1x128xi32>
    %convert_element_type3A = arith.extui %eq3A_5 : vector<1x128xi1> to vector<1x128xi32>
    %convert_element_type3A_6 = arith.sitofp %convert_element_type3A : vector<1x128xi32> to vector<1x128xf32>
    %sub3A = arith.subi %get3A_3, %rem3A_4 : i32
    %add3A = vector.broadcast %sub3A : i32 to vector<1x128xi32>
    %add3A_7 = arith.addi %add3A, %iota3A_2 : vector<1x128xi32>
    %lt3A = arith.constant 16800 : i32
    %lt3A_8 = vector.broadcast %lt3A : i32 to vector<1x128xi32>
    %lt3A_9 = arith.cmpi slt, %add3A_7, %lt3A_8 : vector<1x128xi32>
    %get3A_10 = arith.constant 0 : index
    %get3A_11 = arith.constant 0 : index
    %get3A_12 = arith.constant 0 : index
    %get3A_13 = vector.load %arg2[%get3A_10, %get3A_11, %get3A_12] : memref<10x4x128xf32, #tpu.memory_space<vmem>>, vector<10x1x128xf32>
    %get3A_14 = vector.shape_cast %get3A_13 : vector<10x1x128xf32> to vector<10x128xf32>
    %jit3A = arith.constant 0.000000e+00 : f32
    %broadcast_in_dim3A = vector.shape_cast %lt3A_9 : vector<1x128xi1> to vector<1x128xi1>
    %broadcast_in_dim3A_15 = vector.broadcast %broadcast_in_dim3A : vector<1x128xi1> to vector<10x128xi1>
    %broadcast_in_dim3A_16 = vector.broadcast %jit3A : f32 to vector<10x128xf32>
    %select_n3A = arith.select %broadcast_in_dim3A_15, %get3A_14, %broadcast_in_dim3A_16 : vector<10x128xi1>, vector<10x128xf32>
    %get3A_17 = arith.constant 0 : index
    %get3A_18 = arith.constant 0 : index
    %get3A_19 = vector.load %arg6[%get3A_17, %get3A_18] : memref<4x128xf32, #tpu.memory_space<vmem>>, vector<4x128xf32>
    %jit3A_20 = arith.constant 0.000000e+00 : f32
    %broadcast_in_dim3A_21 = vector.shape_cast %lt3A_9 : vector<1x128xi1> to vector<1x128xi1>
    %broadcast_in_dim3A_22 = vector.broadcast %broadcast_in_dim3A_21 : vector<1x128xi1> to vector<4x128xi1>
    %broadcast_in_dim3A_23 = vector.broadcast %jit3A_20 : f32 to vector<4x128xf32>
    %select_n3A_24 = arith.select %broadcast_in_dim3A_22, %get3A_19, %broadcast_in_dim3A_23 : vector<4x128xi1>, vector<4x128xf32>
    %dot_general3A = arith.constant dense<0.000000e+00> : vector<1x10xf32>
    %dot_general3A_25 = tpu.matmul %convert_element_type3A_6, %select_n3A, %dot_general3A {dimension_numbers = #tpu.dot_dimension_numbers<[1], [1], [0], [0], [0, 0, 1, 0], [], []>, precision = #tpu.contract_precision<fp32>, transpose_lhs_hint = false} : vector<1x128xf32>, vector<10x128xf32>, vector<1x10xf32> -> vector<1x10xf32>
    %dot_general3A_26 = arith.constant dense<0.000000e+00> : vector<1x4xf32>
    %dot_general3A_27 = tpu.matmul %convert_element_type3A_6, %select_n3A_24, %dot_general3A_26 {dimension_numbers = #tpu.dot_dimension_numbers<[1], [1], [0], [0], [0, 0, 1, 0], [], []>, precision = #tpu.contract_precision<fp32>, transpose_lhs_hint = false} : vector<1x128xf32>, vector<4x128xf32>, vector<1x4xf32> -> vector<1x4xf32>
    %broadcast_in_dim3A_28 = arith.constant 0.000000e+00 : f32
    %broadcast_in_dim3A_29 = vector.broadcast %broadcast_in_dim3A_28 : f32 to vector<1x6xf32>
    %concatenate3A = tpu.concatenate %dot_general3A_25, %broadcast_in_dim3A_29 in 1 : vector<1x10xf32>, vector<1x6xf32> -> vector<1x16xf32>
    %eq3A_30 = arith.constant 0 : i32
    %eq3A_31 = vector.broadcast %eq3A_30 : i32 to vector<1x16xi32>
    %eq3A_32 = arith.cmpi eq, %and3A_1, %eq3A_31 : vector<1x16xi32>
    %slice3A = vector.extract_strided_slice %dot_general3A_27 {offsets = [0, 0], sizes = [1, 1], strides = [1, 1]} : vector<1x4xf32> to vector<1x1xf32>
    %slice3A_33 = vector.extract_strided_slice %dot_general3A_27 {offsets = [0, 1], sizes = [1, 1], strides = [1, 1]} : vector<1x4xf32> to vector<1x1xf32>
    %broadcast_in_dim3A_34 = vector.shape_cast %slice3A : vector<1x1xf32> to vector<1x1xf32>
    %broadcast_in_dim3A_35 = vector.broadcast %broadcast_in_dim3A_34 : vector<1x1xf32> to vector<1x16xf32>
    %broadcast_in_dim3A_36 = vector.shape_cast %slice3A_33 : vector<1x1xf32> to vector<1x1xf32>
    %broadcast_in_dim3A_37 = vector.broadcast %broadcast_in_dim3A_36 : vector<1x1xf32> to vector<1x16xf32>
    %select_n3A_38 = arith.select %eq3A_32, %broadcast_in_dim3A_35, %broadcast_in_dim3A_37 : vector<1x16xi1>, vector<1x16xf32>
    %eq3A_39 = arith.constant 0 : i32
    %eq3A_40 = vector.broadcast %eq3A_39 : i32 to vector<1x16xi32>
    %eq3A_41 = arith.cmpi eq, %and3A_1, %eq3A_40 : vector<1x16xi32>
    %slice3A_42 = vector.extract_strided_slice %dot_general3A_27 {offsets = [0, 2], sizes = [1, 1], strides = [1, 1]} : vector<1x4xf32> to vector<1x1xf32>
    %slice3A_43 = vector.extract_strided_slice %dot_general3A_27 {offsets = [0, 3], sizes = [1, 1], strides = [1, 1]} : vector<1x4xf32> to vector<1x1xf32>
    %broadcast_in_dim3A_44 = vector.shape_cast %slice3A_42 : vector<1x1xf32> to vector<1x1xf32>
    %broadcast_in_dim3A_45 = vector.broadcast %broadcast_in_dim3A_44 : vector<1x1xf32> to vector<1x16xf32>
    %broadcast_in_dim3A_46 = vector.shape_cast %slice3A_43 : vector<1x1xf32> to vector<1x1xf32>
    %broadcast_in_dim3A_47 = vector.broadcast %broadcast_in_dim3A_46 : vector<1x1xf32> to vector<1x16xf32>
    %select_n3A_48 = arith.select %eq3A_41, %broadcast_in_dim3A_45, %broadcast_in_dim3A_47 : vector<1x16xi1>, vector<1x16xf32>
    %mul3A = arith.constant 1.000000e-01 : f32
    %mul3A_49 = vector.broadcast %mul3A : f32 to vector<1x16xf32>
    %mul3A_50 = arith.mulf %concatenate3A, %mul3A_49 : vector<1x16xf32>
    %mul3A_51 = arith.mulf %mul3A_50, %select_n3A_48 : vector<1x16xf32>
    %add3A_52 = arith.addf %select_n3A_38, %mul3A_51 : vector<1x16xf32>
    %get3A_53 = arith.constant 16 : index
    %get3A_54 = memref.load %arg1[%get3A_53] : memref<64xi32, #tpu.memory_space<smem>>
    %rem3A_55 = arith.constant 128 : i32
    %rem3A_56 = arith.remsi %get3A_54, %rem3A_55 : i32
    %eq3A_57 = vector.broadcast %rem3A_56 : i32 to vector<1x128xi32>
    %eq3A_58 = arith.cmpi eq, %iota3A_2, %eq3A_57 : vector<1x128xi32>
    %convert_element_type3A_59 = arith.extui %eq3A_58 : vector<1x128xi1> to vector<1x128xi32>
    %convert_element_type3A_60 = arith.sitofp %convert_element_type3A_59 : vector<1x128xi32> to vector<1x128xf32>
    %sub3A_61 = arith.subi %get3A_54, %rem3A_56 : i32
    %add3A_62 = vector.broadcast %sub3A_61 : i32 to vector<1x128xi32>
    %add3A_63 = arith.addi %add3A_62, %iota3A_2 : vector<1x128xi32>
    %lt3A_64 = arith.constant 16800 : i32
    %lt3A_65 = vector.broadcast %lt3A_64 : i32 to vector<1x128xi32>
    %lt3A_66 = arith.cmpi slt, %add3A_63, %lt3A_65 : vector<1x128xi32>
    %get3A_67 = arith.constant 0 : index
    %get3A_68 = arith.constant 1 : index
    %get3A_69 = arith.constant 0 : index
    %get3A_70 = vector.load %arg3[%get3A_67, %get3A_68, %get3A_69] : memref<10x4x128xf32, #tpu.memory_space<vmem>>, vector<10x1x128xf32>
    %get3A_71 = vector.shape_cast %get3A_70 : vector<10x1x128xf32> to vector<10x128xf32>
    %jit3A_72 = arith.constant 0.000000e+00 : f32
    %broadcast_in_dim3A_73 = vector.shape_cast %lt3A_66 : vector<1x128xi1> to vector<1x128xi1>
    %broadcast_in_dim3A_74 = vector.broadcast %broadcast_in_dim3A_73 : vector<1x128xi1> to vector<10x128xi1>
    %broadcast_in_dim3A_75 = vector.broadcast %jit3A_72 : f32 to vector<10x128xf32>
    %select_n3A_76 = arith.select %broadcast_in_dim3A_74, %get3A_71, %broadcast_in_dim3A_75 : vector<10x128xi1>, vector<10x128xf32>
    %get3A_77 = arith.constant 0 : index
    %get3A_78 = arith.constant 0 : index
    %get3A_79 = vector.load %arg7[%get3A_77, %get3A_78] : memref<4x128xf32, #tpu.memory_space<vmem>>, vector<4x128xf32>
    %jit3A_80 = arith.constant 0.000000e+00 : f32
    %broadcast_in_dim3A_81 = vector.shape_cast %lt3A_66 : vector<1x128xi1> to vector<1x128xi1>
    %broadcast_in_dim3A_82 = vector.broadcast %broadcast_in_dim3A_81 : vector<1x128xi1> to vector<4x128xi1>
    %broadcast_in_dim3A_83 = vector.broadcast %jit3A_80 : f32 to vector<4x128xf32>
    %select_n3A_84 = arith.select %broadcast_in_dim3A_82, %get3A_79, %broadcast_in_dim3A_83 : vector<4x128xi1>, vector<4x128xf32>
    %dot_general3A_85 = arith.constant dense<0.000000e+00> : vector<1x10xf32>
    %dot_general3A_86 = tpu.matmul %convert_element_type3A_60, %select_n3A_76, %dot_general3A_85 {dimension_numbers = #tpu.dot_dimension_numbers<[1], [1], [0], [0], [0, 0, 1, 0], [], []>, precision = #tpu.contract_precision<fp32>, transpose_lhs_hint = false} : vector<1x128xf32>, vector<10x128xf32>, vector<1x10xf32> -> vector<1x10xf32>
    %dot_general3A_87 = arith.constant dense<0.000000e+00> : vector<1x4xf32>
    %dot_general3A_88 = tpu.matmul %convert_element_type3A_60, %select_n3A_84, %dot_general3A_87 {dimension_numbers = #tpu.dot_dimension_numbers<[1], [1], [0], [0], [0, 0, 1, 0], [], []>, precision = #tpu.contract_precision<fp32>, transpose_lhs_hint = false} : vector<1x128xf32>, vector<4x128xf32>, vector<1x4xf32> -> vector<1x4xf32>
    %broadcast_in_dim3A_89 = arith.constant 0.000000e+00 : f32
    %broadcast_in_dim3A_90 = vector.broadcast %broadcast_in_dim3A_89 : f32 to vector<1x6xf32>
    %concatenate3A_91 = tpu.concatenate %dot_general3A_86, %broadcast_in_dim3A_90 in 1 : vector<1x10xf32>, vector<1x6xf32> -> vector<1x16xf32>
    %eq3A_92 = arith.constant 0 : i32
    %eq3A_93 = vector.broadcast %eq3A_92 : i32 to vector<1x16xi32>
    %eq3A_94 = arith.cmpi eq, %and3A_1, %eq3A_93 : vector<1x16xi32>
    %slice3A_95 = vector.extract_strided_slice %dot_general3A_88 {offsets = [0, 0], sizes = [1, 1], strides = [1, 1]} : vector<1x4xf32> to vector<1x1xf32>
    %slice3A_96 = vector.extract_strided_slice %dot_general3A_88 {offsets = [0, 1], sizes = [1, 1], strides = [1, 1]} : vector<1x4xf32> to vector<1x1xf32>
    %broadcast_in_dim3A_97 = vector.shape_cast %slice3A_95 : vector<1x1xf32> to vector<1x1xf32>
    %broadcast_in_dim3A_98 = vector.broadcast %broadcast_in_dim3A_97 : vector<1x1xf32> to vector<1x16xf32>
    %broadcast_in_dim3A_99 = vector.shape_cast %slice3A_96 : vector<1x1xf32> to vector<1x1xf32>
    %broadcast_in_dim3A_100 = vector.broadcast %broadcast_in_dim3A_99 : vector<1x1xf32> to vector<1x16xf32>
    %select_n3A_101 = arith.select %eq3A_94, %broadcast_in_dim3A_98, %broadcast_in_dim3A_100 : vector<1x16xi1>, vector<1x16xf32>
    %eq3A_102 = arith.constant 0 : i32
    %eq3A_103 = vector.broadcast %eq3A_102 : i32 to vector<1x16xi32>
    %eq3A_104 = arith.cmpi eq, %and3A_1, %eq3A_103 : vector<1x16xi32>
    %slice3A_105 = vector.extract_strided_slice %dot_general3A_88 {offsets = [0, 2], sizes = [1, 1], strides = [1, 1]} : vector<1x4xf32> to vector<1x1xf32>
    %slice3A_106 = vector.extract_strided_slice %dot_general3A_88 {offsets = [0, 3], sizes = [1, 1], strides = [1, 1]} : vector<1x4xf32> to vector<1x1xf32>
    %broadcast_in_dim3A_107 = vector.shape_cast %slice3A_105 : vector<1x1xf32> to vector<1x1xf32>
    %broadcast_in_dim3A_108 = vector.broadcast %broadcast_in_dim3A_107 : vector<1x1xf32> to vector<1x16xf32>
    %broadcast_in_dim3A_109 = vector.shape_cast %slice3A_106 : vector<1x1xf32> to vector<1x1xf32>
    %broadcast_in_dim3A_110 = vector.broadcast %broadcast_in_dim3A_109 : vector<1x1xf32> to vector<1x16xf32>
    %select_n3A_111 = arith.select %eq3A_104, %broadcast_in_dim3A_108, %broadcast_in_dim3A_110 : vector<1x16xi1>, vector<1x16xf32>
    %mul3A_112 = arith.constant 1.000000e-01 : f32
    %mul3A_113 = vector.broadcast %mul3A_112 : f32 to vector<1x16xf32>
    %mul3A_114 = arith.mulf %concatenate3A_91, %mul3A_113 : vector<1x16xf32>
    %mul3A_115 = arith.mulf %mul3A_114, %select_n3A_111 : vector<1x16xf32>
    %add3A_116 = arith.addf %select_n3A_101, %mul3A_115 : vector<1x16xf32>
    %get3A_117 = arith.constant 32 : index
    %get3A_118 = memref.load %arg1[%get3A_117] : memref<64xi32, #tpu.memory_space<smem>>
    %rem3A_119 = arith.constant 128 : i32
    %rem3A_120 = arith.remsi %get3A_118, %rem3A_119 : i32
    %eq3A_121 = vector.broadcast %rem3A_120 : i32 to vector<1x128xi32>
    %eq3A_122 = arith.cmpi eq, %iota3A_2, %eq3A_121 : vector<1x128xi32>
    %convert_element_type3A_123 = arith.extui %eq3A_122 : vector<1x128xi1> to vector<1x128xi32>
    %convert_element_type3A_124 = arith.sitofp %convert_element_type3A_123 : vector<1x128xi32> to vector<1x128xf32>
    %sub3A_125 = arith.subi %get3A_118, %rem3A_120 : i32
    %add3A_126 = vector.broadcast %sub3A_125 : i32 to vector<1x128xi32>
    %add3A_127 = arith.addi %add3A_126, %iota3A_2 : vector<1x128xi32>
    %lt3A_128 = arith.constant 16800 : i32
    %lt3A_129 = vector.broadcast %lt3A_128 : i32 to vector<1x128xi32>
    %lt3A_130 = arith.cmpi slt, %add3A_127, %lt3A_129 : vector<1x128xi32>
    %get3A_131 = arith.constant 0 : index
    %get3A_132 = arith.constant 2 : index
    %get3A_133 = arith.constant 0 : index
    %get3A_134 = vector.load %arg4[%get3A_131, %get3A_132, %get3A_133] : memref<10x4x128xf32, #tpu.memory_space<vmem>>, vector<10x1x128xf32>
    %get3A_135 = vector.shape_cast %get3A_134 : vector<10x1x128xf32> to vector<10x128xf32>
    %jit3A_136 = arith.constant 0.000000e+00 : f32
    %broadcast_in_dim3A_137 = vector.shape_cast %lt3A_130 : vector<1x128xi1> to vector<1x128xi1>
    %broadcast_in_dim3A_138 = vector.broadcast %broadcast_in_dim3A_137 : vector<1x128xi1> to vector<10x128xi1>
    %broadcast_in_dim3A_139 = vector.broadcast %jit3A_136 : f32 to vector<10x128xf32>
    %select_n3A_140 = arith.select %broadcast_in_dim3A_138, %get3A_135, %broadcast_in_dim3A_139 : vector<10x128xi1>, vector<10x128xf32>
    %get3A_141 = arith.constant 0 : index
    %get3A_142 = arith.constant 0 : index
    %get3A_143 = vector.load %arg8[%get3A_141, %get3A_142] : memref<4x128xf32, #tpu.memory_space<vmem>>, vector<4x128xf32>
    %jit3A_144 = arith.constant 0.000000e+00 : f32
    %broadcast_in_dim3A_145 = vector.shape_cast %lt3A_130 : vector<1x128xi1> to vector<1x128xi1>
    %broadcast_in_dim3A_146 = vector.broadcast %broadcast_in_dim3A_145 : vector<1x128xi1> to vector<4x128xi1>
    %broadcast_in_dim3A_147 = vector.broadcast %jit3A_144 : f32 to vector<4x128xf32>
    %select_n3A_148 = arith.select %broadcast_in_dim3A_146, %get3A_143, %broadcast_in_dim3A_147 : vector<4x128xi1>, vector<4x128xf32>
    %dot_general3A_149 = arith.constant dense<0.000000e+00> : vector<1x10xf32>
    %dot_general3A_150 = tpu.matmul %convert_element_type3A_124, %select_n3A_140, %dot_general3A_149 {dimension_numbers = #tpu.dot_dimension_numbers<[1], [1], [0], [0], [0, 0, 1, 0], [], []>, precision = #tpu.contract_precision<fp32>, transpose_lhs_hint = false} : vector<1x128xf32>, vector<10x128xf32>, vector<1x10xf32> -> vector<1x10xf32>
    %dot_general3A_151 = arith.constant dense<0.000000e+00> : vector<1x4xf32>
    %dot_general3A_152 = tpu.matmul %convert_element_type3A_124, %select_n3A_148, %dot_general3A_151 {dimension_numbers = #tpu.dot_dimension_numbers<[1], [1], [0], [0], [0, 0, 1, 0], [], []>, precision = #tpu.contract_precision<fp32>, transpose_lhs_hint = false} : vector<1x128xf32>, vector<4x128xf32>, vector<1x4xf32> -> vector<1x4xf32>
    %broadcast_in_dim3A_153 = arith.constant 0.000000e+00 : f32
    %broadcast_in_dim3A_154 = vector.broadcast %broadcast_in_dim3A_153 : f32 to vector<1x6xf32>
    %concatenate3A_155 = tpu.concatenate %dot_general3A_150, %broadcast_in_dim3A_154 in 1 : vector<1x10xf32>, vector<1x6xf32> -> vector<1x16xf32>
    %eq3A_156 = arith.constant 0 : i32
    %eq3A_157 = vector.broadcast %eq3A_156 : i32 to vector<1x16xi32>
    %eq3A_158 = arith.cmpi eq, %and3A_1, %eq3A_157 : vector<1x16xi32>
    %slice3A_159 = vector.extract_strided_slice %dot_general3A_152 {offsets = [0, 0], sizes = [1, 1], strides = [1, 1]} : vector<1x4xf32> to vector<1x1xf32>
    %slice3A_160 = vector.extract_strided_slice %dot_general3A_152 {offsets = [0, 1], sizes = [1, 1], strides = [1, 1]} : vector<1x4xf32> to vector<1x1xf32>
    %broadcast_in_dim3A_161 = vector.shape_cast %slice3A_159 : vector<1x1xf32> to vector<1x1xf32>
    %broadcast_in_dim3A_162 = vector.broadcast %broadcast_in_dim3A_161 : vector<1x1xf32> to vector<1x16xf32>
    %broadcast_in_dim3A_163 = vector.shape_cast %slice3A_160 : vector<1x1xf32> to vector<1x1xf32>
    %broadcast_in_dim3A_164 = vector.broadcast %broadcast_in_dim3A_163 : vector<1x1xf32> to vector<1x16xf32>
    %select_n3A_165 = arith.select %eq3A_158, %broadcast_in_dim3A_162, %broadcast_in_dim3A_164 : vector<1x16xi1>, vector<1x16xf32>
    %eq3A_166 = arith.constant 0 : i32
    %eq3A_167 = vector.broadcast %eq3A_166 : i32 to vector<1x16xi32>
    %eq3A_168 = arith.cmpi eq, %and3A_1, %eq3A_167 : vector<1x16xi32>
    %slice3A_169 = vector.extract_strided_slice %dot_general3A_152 {offsets = [0, 2], sizes = [1, 1], strides = [1, 1]} : vector<1x4xf32> to vector<1x1xf32>
    %slice3A_170 = vector.extract_strided_slice %dot_general3A_152 {offsets = [0, 3], sizes = [1, 1], strides = [1, 1]} : vector<1x4xf32> to vector<1x1xf32>
    %broadcast_in_dim3A_171 = vector.shape_cast %slice3A_169 : vector<1x1xf32> to vector<1x1xf32>
    %broadcast_in_dim3A_172 = vector.broadcast %broadcast_in_dim3A_171 : vector<1x1xf32> to vector<1x16xf32>
    %broadcast_in_dim3A_173 = vector.shape_cast %slice3A_170 : vector<1x1xf32> to vector<1x1xf32>
    %broadcast_in_dim3A_174 = vector.broadcast %broadcast_in_dim3A_173 : vector<1x1xf32> to vector<1x16xf32>
    %select_n3A_175 = arith.select %eq3A_168, %broadcast_in_dim3A_172, %broadcast_in_dim3A_174 : vector<1x16xi1>, vector<1x16xf32>
    %mul3A_176 = arith.constant 1.000000e-01 : f32
    %mul3A_177 = vector.broadcast %mul3A_176 : f32 to vector<1x16xf32>
    %mul3A_178 = arith.mulf %concatenate3A_155, %mul3A_177 : vector<1x16xf32>
    %mul3A_179 = arith.mulf %mul3A_178, %select_n3A_175 : vector<1x16xf32>
    %add3A_180 = arith.addf %select_n3A_165, %mul3A_179 : vector<1x16xf32>
    %get3A_181 = arith.constant 48 : index
    %get3A_182 = memref.load %arg1[%get3A_181] : memref<64xi32, #tpu.memory_space<smem>>
    %rem3A_183 = arith.constant 128 : i32
    %rem3A_184 = arith.remsi %get3A_182, %rem3A_183 : i32
    %eq3A_185 = vector.broadcast %rem3A_184 : i32 to vector<1x128xi32>
    %eq3A_186 = arith.cmpi eq, %iota3A_2, %eq3A_185 : vector<1x128xi32>
    %convert_element_type3A_187 = arith.extui %eq3A_186 : vector<1x128xi1> to vector<1x128xi32>
    %convert_element_type3A_188 = arith.sitofp %convert_element_type3A_187 : vector<1x128xi32> to vector<1x128xf32>
    %sub3A_189 = arith.subi %get3A_182, %rem3A_184 : i32
    %add3A_190 = vector.broadcast %sub3A_189 : i32 to vector<1x128xi32>
    %add3A_191 = arith.addi %add3A_190, %iota3A_2 : vector<1x128xi32>
    %lt3A_192 = arith.constant 16800 : i32
    %lt3A_193 = vector.broadcast %lt3A_192 : i32 to vector<1x128xi32>
    %lt3A_194 = arith.cmpi slt, %add3A_191, %lt3A_193 : vector<1x128xi32>
    %get3A_195 = arith.constant 0 : index
    %get3A_196 = arith.constant 3 : index
    %get3A_197 = arith.constant 0 : index
    %get3A_198 = vector.load %arg5[%get3A_195, %get3A_196, %get3A_197] : memref<10x4x128xf32, #tpu.memory_space<vmem>>, vector<10x1x128xf32>
    %get3A_199 = vector.shape_cast %get3A_198 : vector<10x1x128xf32> to vector<10x128xf32>
    %jit3A_200 = arith.constant 0.000000e+00 : f32
    %broadcast_in_dim3A_201 = vector.shape_cast %lt3A_194 : vector<1x128xi1> to vector<1x128xi1>
    %broadcast_in_dim3A_202 = vector.broadcast %broadcast_in_dim3A_201 : vector<1x128xi1> to vector<10x128xi1>
    %broadcast_in_dim3A_203 = vector.broadcast %jit3A_200 : f32 to vector<10x128xf32>
    %select_n3A_204 = arith.select %broadcast_in_dim3A_202, %get3A_199, %broadcast_in_dim3A_203 : vector<10x128xi1>, vector<10x128xf32>
    %get3A_205 = arith.constant 0 : index
    %get3A_206 = arith.constant 0 : index
    %get3A_207 = vector.load %arg9[%get3A_205, %get3A_206] : memref<4x128xf32, #tpu.memory_space<vmem>>, vector<4x128xf32>
    %jit3A_208 = arith.constant 0.000000e+00 : f32
    %broadcast_in_dim3A_209 = vector.shape_cast %lt3A_194 : vector<1x128xi1> to vector<1x128xi1>
    %broadcast_in_dim3A_210 = vector.broadcast %broadcast_in_dim3A_209 : vector<1x128xi1> to vector<4x128xi1>
    %broadcast_in_dim3A_211 = vector.broadcast %jit3A_208 : f32 to vector<4x128xf32>
    %select_n3A_212 = arith.select %broadcast_in_dim3A_210, %get3A_207, %broadcast_in_dim3A_211 : vector<4x128xi1>, vector<4x128xf32>
    %dot_general3A_213 = arith.constant dense<0.000000e+00> : vector<1x10xf32>
    %dot_general3A_214 = tpu.matmul %convert_element_type3A_188, %select_n3A_204, %dot_general3A_213 {dimension_numbers = #tpu.dot_dimension_numbers<[1], [1], [0], [0], [0, 0, 1, 0], [], []>, precision = #tpu.contract_precision<fp32>, transpose_lhs_hint = false} : vector<1x128xf32>, vector<10x128xf32>, vector<1x10xf32> -> vector<1x10xf32>
    %dot_general3A_215 = arith.constant dense<0.000000e+00> : vector<1x4xf32>
    %dot_general3A_216 = tpu.matmul %convert_element_type3A_188, %select_n3A_212, %dot_general3A_215 {dimension_numbers = #tpu.dot_dimension_numbers<[1], [1], [0], [0], [0, 0, 1, 0], [], []>, precision = #tpu.contract_precision<fp32>, transpose_lhs_hint = false} : vector<1x128xf32>, vector<4x128xf32>, vector<1x4xf32> -> vector<1x4xf32>
    %broadcast_in_dim3A_217 = arith.constant 0.000000e+00 : f32
    %broadcast_in_dim3A_218 = vector.broadcast %broadcast_in_dim3A_217 : f32 to vector<1x6xf32>
    %concatenate3A_219 = tpu.concatenate %dot_general3A_214, %broadcast_in_dim3A_218 in 1 : vector<1x10xf32>, vector<1x6xf32> -> vector<1x16xf32>
    %eq3A_220 = arith.constant 0 : i32
    %eq3A_221 = vector.broadcast %eq3A_220 : i32 to vector<1x16xi32>
    %eq3A_222 = arith.cmpi eq, %and3A_1, %eq3A_221 : vector<1x16xi32>
    %slice3A_223 = vector.extract_strided_slice %dot_general3A_216 {offsets = [0, 0], sizes = [1, 1], strides = [1, 1]} : vector<1x4xf32> to vector<1x1xf32>
    %slice3A_224 = vector.extract_strided_slice %dot_general3A_216 {offsets = [0, 1], sizes = [1, 1], strides = [1, 1]} : vector<1x4xf32> to vector<1x1xf32>
    %broadcast_in_dim3A_225 = vector.shape_cast %slice3A_223 : vector<1x1xf32> to vector<1x1xf32>
    %broadcast_in_dim3A_226 = vector.broadcast %broadcast_in_dim3A_225 : vector<1x1xf32> to vector<1x16xf32>
    %broadcast_in_dim3A_227 = vector.shape_cast %slice3A_224 : vector<1x1xf32> to vector<1x1xf32>
    %broadcast_in_dim3A_228 = vector.broadcast %broadcast_in_dim3A_227 : vector<1x1xf32> to vector<1x16xf32>
    %select_n3A_229 = arith.select %eq3A_222, %broadcast_in_dim3A_226, %broadcast_in_dim3A_228 : vector<1x16xi1>, vector<1x16xf32>
    %eq3A_230 = arith.constant 0 : i32
    %eq3A_231 = vector.broadcast %eq3A_230 : i32 to vector<1x16xi32>
    %eq3A_232 = arith.cmpi eq, %and3A_1, %eq3A_231 : vector<1x16xi32>
    %slice3A_233 = vector.extract_strided_slice %dot_general3A_216 {offsets = [0, 2], sizes = [1, 1], strides = [1, 1]} : vector<1x4xf32> to vector<1x1xf32>
    %slice3A_234 = vector.extract_strided_slice %dot_general3A_216 {offsets = [0, 3], sizes = [1, 1], strides = [1, 1]} : vector<1x4xf32> to vector<1x1xf32>
    %broadcast_in_dim3A_235 = vector.shape_cast %slice3A_233 : vector<1x1xf32> to vector<1x1xf32>
    %broadcast_in_dim3A_236 = vector.broadcast %broadcast_in_dim3A_235 : vector<1x1xf32> to vector<1x16xf32>
    %broadcast_in_dim3A_237 = vector.shape_cast %slice3A_234 : vector<1x1xf32> to vector<1x1xf32>
    %broadcast_in_dim3A_238 = vector.broadcast %broadcast_in_dim3A_237 : vector<1x1xf32> to vector<1x16xf32>
    %select_n3A_239 = arith.select %eq3A_232, %broadcast_in_dim3A_236, %broadcast_in_dim3A_238 : vector<1x16xi1>, vector<1x16xf32>
    %mul3A_240 = arith.constant 1.000000e-01 : f32
    %mul3A_241 = vector.broadcast %mul3A_240 : f32 to vector<1x16xf32>
    %mul3A_242 = arith.mulf %concatenate3A_219, %mul3A_241 : vector<1x16xf32>
    %mul3A_243 = arith.mulf %mul3A_242, %select_n3A_239 : vector<1x16xf32>
    %add3A_244 = arith.addf %select_n3A_229, %mul3A_243 : vector<1x16xf32>
    %concatenate3A_245 = tpu.concatenate %add3A_52, %add3A_116, %add3A_180, %add3A_244 in 0 : vector<1x16xf32>, vector<1x16xf32>, vector<1x16xf32>, vector<1x16xf32> -> vector<4x16xf32>
    %swap3A = arith.constant 0 : index
    %swap3A_246 = arith.constant 0 : index
    %swap3A_247 = vector.load %arg10[%swap3A, %swap3A_246] : memref<4x16xf32, #tpu.memory_space<vmem>>, vector<4x16xf32>
    tpu.vector_store %arg10[%swap3A, %swap3A_246], %concatenate3A_245 {strides = array<i32>} : memref<4x16xf32, #tpu.memory_space<vmem>>, vector<4x16xf32>,
    return
  }
  func.func @transform_0(%arg0: i32, %arg1: memref<64xi32, #tpu.memory_space<smem>>) -> (i32, i32, i32) {
    %get3A = arith.constant 0 : index
    %get3A_0 = memref.load %arg1[%get3A] : memref<64xi32, #tpu.memory_space<smem>>
    %jit3A = arith.constant 128 : i32
    %div3A = arith.divsi %get3A_0, %jit3A : i32
    %sign3A = arith.constant 0 : i32
    %sign3A_1 = arith.cmpi sgt, %get3A_0, %sign3A : i32
    %sign3A_2 = arith.extui %sign3A_1 : i1 to i32
    %sign3A_3 = arith.constant 0 : i32
    %sign3A_4 = arith.cmpi slt, %get3A_0, %sign3A_3 : i32
    %sign3A_5 = arith.extui %sign3A_4 : i1 to i32
    %sign3A_6 = arith.subi %sign3A_2, %sign3A_5 : i32
    %sign3A_7 = arith.constant 0 : i32
    %sign3A_8 = arith.cmpi sgt, %jit3A, %sign3A_7 : i32
    %sign3A_9 = arith.extui %sign3A_8 : i1 to i32
    %sign3A_10 = arith.constant 0 : i32
    %sign3A_11 = arith.cmpi slt, %jit3A, %sign3A_10 : i32
    %sign3A_12 = arith.extui %sign3A_11 : i1 to i32
    %sign3A_13 = arith.subi %sign3A_9, %sign3A_12 : i32
    %ne3A = arith.cmpi ne, %sign3A_6, %sign3A_13 : i32
    %rem3A = arith.remsi %get3A_0, %jit3A : i32
    %ne3A_14 = arith.constant 0 : i32
    %ne3A_15 = arith.cmpi ne, %rem3A, %ne3A_14 : i32
    %and3A = arith.andi %ne3A, %ne3A_15 : i1
    %sub3A = arith.constant 1 : i32
    %sub3A_16 = arith.subi %div3A, %sub3A : i32
    %select_n3A = arith.select %and3A, %sub3A_16, %div3A : i32
    %c0_i32 = arith.constant 0 : i32
    %c0_i32_17 = arith.constant 0 : i32
    %c0_i32_18 = arith.constant 0 : i32
    return %c0_i32, %c0_i32_17, %select_n3A : i32, i32, i32
  }
  func.func @transform_1(%arg0: i32, %arg1: memref<64xi32, #tpu.memory_space<smem>>) -> (i32, i32, i32) {
    %get3A = arith.constant 16 : index
    %get3A_0 = memref.load %arg1[%get3A] : memref<64xi32, #tpu.memory_space<smem>>
    %jit3A = arith.constant 128 : i32
    %div3A = arith.divsi %get3A_0, %jit3A : i32
    %sign3A = arith.constant 0 : i32
    %sign3A_1 = arith.cmpi sgt, %get3A_0, %sign3A : i32
    %sign3A_2 = arith.extui %sign3A_1 : i1 to i32
    %sign3A_3 = arith.constant 0 : i32
    %sign3A_4 = arith.cmpi slt, %get3A_0, %sign3A_3 : i32
    %sign3A_5 = arith.extui %sign3A_4 : i1 to i32
    %sign3A_6 = arith.subi %sign3A_2, %sign3A_5 : i32
    %sign3A_7 = arith.constant 0 : i32
    %sign3A_8 = arith.cmpi sgt, %jit3A, %sign3A_7 : i32
    %sign3A_9 = arith.extui %sign3A_8 : i1 to i32
    %sign3A_10 = arith.constant 0 : i32
    %sign3A_11 = arith.cmpi slt, %jit3A, %sign3A_10 : i32
    %sign3A_12 = arith.extui %sign3A_11 : i1 to i32
    %sign3A_13 = arith.subi %sign3A_9, %sign3A_12 : i32
    %ne3A = arith.cmpi ne, %sign3A_6, %sign3A_13 : i32
    %rem3A = arith.remsi %get3A_0, %jit3A : i32
    %ne3A_14 = arith.constant 0 : i32
    %ne3A_15 = arith.cmpi ne, %rem3A, %ne3A_14 : i32
    %and3A = arith.andi %ne3A, %ne3A_15 : i1
    %sub3A = arith.constant 1 : i32
    %sub3A_16 = arith.subi %div3A, %sub3A : i32
    %select_n3A = arith.select %and3A, %sub3A_16, %div3A : i32
    %c0_i32 = arith.constant 0 : i32
    %c0_i32_17 = arith.constant 0 : i32
    %c0_i32_18 = arith.constant 0 : i32
    return %c0_i32, %c0_i32_17, %select_n3A : i32, i32, i32
  }
  func.func @transform_2(%arg0: i32, %arg1: memref<64xi32, #tpu.memory_space<smem>>) -> (i32, i32, i32) {
    %get3A = arith.constant 32 : index
    %get3A_0 = memref.load %arg1[%get3A] : memref<64xi32, #tpu.memory_space<smem>>
    %jit3A = arith.constant 128 : i32
    %div3A = arith.divsi %get3A_0, %jit3A : i32
    %sign3A = arith.constant 0 : i32
    %sign3A_1 = arith.cmpi sgt, %get3A_0, %sign3A : i32
    %sign3A_2 = arith.extui %sign3A_1 : i1 to i32
    %sign3A_3 = arith.constant 0 : i32
    %sign3A_4 = arith.cmpi slt, %get3A_0, %sign3A_3 : i32
    %sign3A_5 = arith.extui %sign3A_4 : i1 to i32
    %sign3A_6 = arith.subi %sign3A_2, %sign3A_5 : i32
    %sign3A_7 = arith.constant 0 : i32
    %sign3A_8 = arith.cmpi sgt, %jit3A, %sign3A_7 : i32
    %sign3A_9 = arith.extui %sign3A_8 : i1 to i32
    %sign3A_10 = arith.constant 0 : i32
    %sign3A_11 = arith.cmpi slt, %jit3A, %sign3A_10 : i32
    %sign3A_12 = arith.extui %sign3A_11 : i1 to i32
    %sign3A_13 = arith.subi %sign3A_9, %sign3A_12 : i32
    %ne3A = arith.cmpi ne, %sign3A_6, %sign3A_13 : i32
    %rem3A = arith.remsi %get3A_0, %jit3A : i32
    %ne3A_14 = arith.constant 0 : i32
    %ne3A_15 = arith.cmpi ne, %rem3A, %ne3A_14 : i32
    %and3A = arith.andi %ne3A, %ne3A_15 : i1
    %sub3A = arith.constant 1 : i32
    %sub3A_16 = arith.subi %div3A, %sub3A : i32
    %select_n3A = arith.select %and3A, %sub3A_16, %div3A : i32
    %c0_i32 = arith.constant 0 : i32
    %c0_i32_17 = arith.constant 0 : i32
    %c0_i32_18 = arith.constant 0 : i32
    return %c0_i32, %c0_i32_17, %select_n3A : i32, i32, i32
  }
  func.func @transform_3(%arg0: i32, %arg1: memref<64xi32, #tpu.memory_space<smem>>) -> (i32, i32, i32) {
    %get3A = arith.constant 48 : index
    %get3A_0 = memref.load %arg1[%get3A] : memref<64xi32, #tpu.memory_space<smem>>
    %jit3A = arith.constant 128 : i32
    %div3A = arith.divsi %get3A_0, %jit3A : i32
    %sign3A = arith.constant 0 : i32
    %sign3A_1 = arith.cmpi sgt, %get3A_0, %sign3A : i32
    %sign3A_2 = arith.extui %sign3A_1 : i1 to i32
    %sign3A_3 = arith.constant 0 : i32
    %sign3A_4 = arith.cmpi slt, %get3A_0, %sign3A_3 : i32
    %sign3A_5 = arith.extui %sign3A_4 : i1 to i32
    %sign3A_6 = arith.subi %sign3A_2, %sign3A_5 : i32
    %sign3A_7 = arith.constant 0 : i32
    %sign3A_8 = arith.cmpi sgt, %jit3A, %sign3A_7 : i32
    %sign3A_9 = arith.extui %sign3A_8 : i1 to i32
    %sign3A_10 = arith.constant 0 : i32
    %sign3A_11 = arith.cmpi slt, %jit3A, %sign3A_10 : i32
    %sign3A_12 = arith.extui %sign3A_11 : i1 to i32
    %sign3A_13 = arith.subi %sign3A_9, %sign3A_12 : i32
    %ne3A = arith.cmpi ne, %sign3A_6, %sign3A_13 : i32
    %rem3A = arith.remsi %get3A_0, %jit3A : i32
    %ne3A_14 = arith.constant 0 : i32
    %ne3A_15 = arith.cmpi ne, %rem3A, %ne3A_14 : i32
    %and3A = arith.andi %ne3A, %ne3A_15 : i1
    %sub3A = arith.constant 1 : i32
    %sub3A_16 = arith.subi %div3A, %sub3A : i32
    %select_n3A = arith.select %and3A, %sub3A_16, %div3A : i32
    %c0_i32 = arith.constant 0 : i32
    %c0_i32_17 = arith.constant 0 : i32
    %c0_i32_18 = arith.constant 0 : i32
    return %c0_i32, %c0_i32_17, %select_n3A : i32, i32, i32
  }
  func.func @transform_4(%arg0: i32, %arg1: memref<64xi32, #tpu.memory_space<smem>>) -> (i32, i32) {
    %get3A = arith.constant 0 : index
    %get3A_0 = memref.load %arg1[%get3A] : memref<64xi32, #tpu.memory_space<smem>>
    %jit3A = arith.constant 128 : i32
    %div3A = arith.divsi %get3A_0, %jit3A : i32
    %sign3A = arith.constant 0 : i32
    %sign3A_1 = arith.cmpi sgt, %get3A_0, %sign3A : i32
    %sign3A_2 = arith.extui %sign3A_1 : i1 to i32
    %sign3A_3 = arith.constant 0 : i32
    %sign3A_4 = arith.cmpi slt, %get3A_0, %sign3A_3 : i32
    %sign3A_5 = arith.extui %sign3A_4 : i1 to i32
    %sign3A_6 = arith.subi %sign3A_2, %sign3A_5 : i32
    %sign3A_7 = arith.constant 0 : i32
    %sign3A_8 = arith.cmpi sgt, %jit3A, %sign3A_7 : i32
    %sign3A_9 = arith.extui %sign3A_8 : i1 to i32
    %sign3A_10 = arith.constant 0 : i32
    %sign3A_11 = arith.cmpi slt, %jit3A, %sign3A_10 : i32
    %sign3A_12 = arith.extui %sign3A_11 : i1 to i32
    %sign3A_13 = arith.subi %sign3A_9, %sign3A_12 : i32
    %ne3A = arith.cmpi ne, %sign3A_6, %sign3A_13 : i32
    %rem3A = arith.remsi %get3A_0, %jit3A : i32
    %ne3A_14 = arith.constant 0 : i32
    %ne3A_15 = arith.cmpi ne, %rem3A, %ne3A_14 : i32
    %and3A = arith.andi %ne3A, %ne3A_15 : i1
    %sub3A = arith.constant 1 : i32
    %sub3A_16 = arith.subi %div3A, %sub3A : i32
    %select_n3A = arith.select %and3A, %sub3A_16, %div3A : i32
    %c0_i32 = arith.constant 0 : i32
    %c0_i32_17 = arith.constant 0 : i32
    return %c0_i32, %select_n3A : i32, i32
  }
  func.func @transform_5(%arg0: i32, %arg1: memref<64xi32, #tpu.memory_space<smem>>) -> (i32, i32) {
    %get3A = arith.constant 16 : index
    %get3A_0 = memref.load %arg1[%get3A] : memref<64xi32, #tpu.memory_space<smem>>
    %jit3A = arith.constant 128 : i32
    %div3A = arith.divsi %get3A_0, %jit3A : i32
    %sign3A = arith.constant 0 : i32
    %sign3A_1 = arith.cmpi sgt, %get3A_0, %sign3A : i32
    %sign3A_2 = arith.extui %sign3A_1 : i1 to i32
    %sign3A_3 = arith.constant 0 : i32
    %sign3A_4 = arith.cmpi slt, %get3A_0, %sign3A_3 : i32
    %sign3A_5 = arith.extui %sign3A_4 : i1 to i32
    %sign3A_6 = arith.subi %sign3A_2, %sign3A_5 : i32
    %sign3A_7 = arith.constant 0 : i32
    %sign3A_8 = arith.cmpi sgt, %jit3A, %sign3A_7 : i32
    %sign3A_9 = arith.extui %sign3A_8 : i1 to i32
    %sign3A_10 = arith.constant 0 : i32
    %sign3A_11 = arith.cmpi slt, %jit3A, %sign3A_10 : i32
    %sign3A_12 = arith.extui %sign3A_11 : i1 to i32
    %sign3A_13 = arith.subi %sign3A_9, %sign3A_12 : i32
    %ne3A = arith.cmpi ne, %sign3A_6, %sign3A_13 : i32
    %rem3A = arith.remsi %get3A_0, %jit3A : i32
    %ne3A_14 = arith.constant 0 : i32
    %ne3A_15 = arith.cmpi ne, %rem3A, %ne3A_14 : i32
    %and3A = arith.andi %ne3A, %ne3A_15 : i1
    %sub3A = arith.constant 1 : i32
    %sub3A_16 = arith.subi %div3A, %sub3A : i32
    %select_n3A = arith.select %and3A, %sub3A_16, %div3A : i32
    %c0_i32 = arith.constant 0 : i32
    %c0_i32_17 = arith.constant 0 : i32
    return %c0_i32, %select_n3A : i32, i32
  }
  func.func @transform_6(%arg0: i32, %arg1: memref<64xi32, #tpu.memory_space<smem>>) -> (i32, i32) {
    %get3A = arith.constant 32 : index
    %get3A_0 = memref.load %arg1[%get3A] : memref<64xi32, #tpu.memory_space<smem>>
    %jit3A = arith.constant 128 : i32
    %div3A = arith.divsi %get3A_0, %jit3A : i32
    %sign3A = arith.constant 0 : i32
    %sign3A_1 = arith.cmpi sgt, %get3A_0, %sign3A : i32
    %sign3A_2 = arith.extui %sign3A_1 : i1 to i32
    %sign3A_3 = arith.constant 0 : i32
    %sign3A_4 = arith.cmpi slt, %get3A_0, %sign3A_3 : i32
    %sign3A_5 = arith.extui %sign3A_4 : i1 to i32
    %sign3A_6 = arith.subi %sign3A_2, %sign3A_5 : i32
    %sign3A_7 = arith.constant 0 : i32
    %sign3A_8 = arith.cmpi sgt, %jit3A, %sign3A_7 : i32
    %sign3A_9 = arith.extui %sign3A_8 : i1 to i32
    %sign3A_10 = arith.constant 0 : i32
    %sign3A_11 = arith.cmpi slt, %jit3A, %sign3A_10 : i32
    %sign3A_12 = arith.extui %sign3A_11 : i1 to i32
    %sign3A_13 = arith.subi %sign3A_9, %sign3A_12 : i32
    %ne3A = arith.cmpi ne, %sign3A_6, %sign3A_13 : i32
    %rem3A = arith.remsi %get3A_0, %jit3A : i32
    %ne3A_14 = arith.constant 0 : i32
    %ne3A_15 = arith.cmpi ne, %rem3A, %ne3A_14 : i32
    %and3A = arith.andi %ne3A, %ne3A_15 : i1
    %sub3A = arith.constant 1 : i32
    %sub3A_16 = arith.subi %div3A, %sub3A : i32
    %select_n3A = arith.select %and3A, %sub3A_16, %div3A : i32
    %c0_i32 = arith.constant 0 : i32
    %c0_i32_17 = arith.constant 0 : i32
    return %c0_i32, %select_n3A : i32, i32
  }
  func.func @transform_7(%arg0: i32, %arg1: memref<64xi32, #tpu.memory_space<smem>>) -> (i32, i32) {
    %get3A = arith.constant 48 : index
    %get3A_0 = memref.load %arg1[%get3A] : memref<64xi32, #tpu.memory_space<smem>>
    %jit3A = arith.constant 128 : i32
    %div3A = arith.divsi %get3A_0, %jit3A : i32
    %sign3A = arith.constant 0 : i32
    %sign3A_1 = arith.cmpi sgt, %get3A_0, %sign3A : i32
    %sign3A_2 = arith.extui %sign3A_1 : i1 to i32
    %sign3A_3 = arith.constant 0 : i32
    %sign3A_4 = arith.cmpi slt, %get3A_0, %sign3A_3 : i32
    %sign3A_5 = arith.extui %sign3A_4 : i1 to i32
    %sign3A_6 = arith.subi %sign3A_2, %sign3A_5 : i32
    %sign3A_7 = arith.constant 0 : i32
    %sign3A_8 = arith.cmpi sgt, %jit3A, %sign3A_7 : i32
    %sign3A_9 = arith.extui %sign3A_8 : i1 to i32
    %sign3A_10 = arith.constant 0 : i32
    %sign3A_11 = arith.cmpi slt, %jit3A, %sign3A_10 : i32
    %sign3A_12 = arith.extui %sign3A_11 : i1 to i32
    %sign3A_13 = arith.subi %sign3A_9, %sign3A_12 : i32
    %ne3A = arith.cmpi ne, %sign3A_6, %sign3A_13 : i32
    %rem3A = arith.remsi %get3A_0, %jit3A : i32
    %ne3A_14 = arith.constant 0 : i32
    %ne3A_15 = arith.cmpi ne, %rem3A, %ne3A_14 : i32
    %and3A = arith.andi %ne3A, %ne3A_15 : i1
    %sub3A = arith.constant 1 : i32
    %sub3A_16 = arith.subi %div3A, %sub3A : i32
    %select_n3A = arith.select %and3A, %sub3A_16, %div3A : i32
    %c0_i32 = arith.constant 0 : i32
    %c0_i32_17 = arith.constant 0 : i32
    return %c0_i32, %select_n3A : i32, i32
  }
  func.func @transform_8(%arg0: i32, %arg1: memref<64xi32, #tpu.memory_space<smem>>) -> (i32, i32) {
    %c0_i32 = arith.constant 0 : i32
    %c0_i32_0 = arith.constant 0 : i32
    %c0_i32_1 = arith.constant 0 : i32
    return %c0_i32, %c0_i32_0 : i32, i32
  }
}

</mosaic_0001>

<sc_bundles>
// kernel: kernel.4.cloned.1.call-start
scs
__scs_entry_jumppad:
0x0: {  	(pc) =	sbr.rel $0x88, $3  }
0x1: {  	(tag) =	ssettag $0x0;
	lr =	simm.s32 $0x1  }
0x2: {  	[smem:$0x3F9E] =	sst lr;
	_ =	strace $0xD0000000  }
0x3: {  	_ = 	snop  }
0x4: {  	_ = 	snop  }
0x5: {  	_ = 	snop  }
0x6: {  	_ = 	snop  }
0x7: {  	_ = 	snop  }
__scs_overlays_trampoline_lowered:
0x8: {  	[smem:$0x3FAD] =	sst s0  }
0x9: {  	[smem:$0x3FAE] =	sst s1  }
0xa: {  	[smem:$0x3FAF] =	sst s2  }
0xb: {  	[smem:$0x3FB0] =	sst s3  }
0xc: {  	[smem:$0x3FB1] =	sst s4  }
0xd: {  	[smem:$0x3FB2] =	sst s5  }
0xe: {  	[smem:$0x3FB3] =	sst s6  }
0xf: {  	[smem:$0x3FB4] =	sst s7  }
0x10: {  	[smem:$0x3FB5] =	sst s8  }
0x11: {  	[smem:$0x3FB6] =	sst s9;
	s0 =	simm.s32 @!p0 $0x0  }
0x12: {  	s1 =	sld [smem:$0x3F9C];
	s0 =	simm.s32 @p0 $0x1  }
0x13: {  	[smem:$0x3FB7] =	sst s0;
	s0 =	simm.s32 @!p1 $0x0  }
0x14: {  	s2 =	sld [smem:$0x3F9B];
	s0 =	simm.s32 @p1 $0x1  }
0x15: {  	[smem:$0x3FB8] =	sst s0;
	s0 =	simm.s32 @!p2 $0x0  }
0x16: {  	s3 =	sld [smem:$0x3FDB];
	s0 =	simm.s32 @p2 $0x1  }
0x17: {  	s4 =	simm.s32 $0x1BF5;
	[smem:$0x3FBA] =	sst s0  }
0x18: {  	s0 =	sld [smem:$0x3F9D];
	_ =	swait.ge [sflag:s4], $0x0  }
0x19: {  	s7 =	sld [smem:$0x3F9E]  }
0x1a: {  	s8 =	sadd.s32 $0xFFFFE003, lr  }
0x1b: {  	s9 =	sadd.s32 $0xFFFFFEF7, lr;
	s5 =	simm.s32 $0xFFFFFFFF;
	p2 =	slt.u32 s8, $0xFFFFF086  }
0x1c: {  	p1 =	slt.u32 s9, $0xF7A;
	s5 =	simm.s32 @!p2 $0x0  }
0x1d: {  	s5 =	simm.s32 @p1 $0x1;
	p0 =	seq.s32 s7, s2  }
0x1e: {  	s7 =	smul.u32 @!p0 $0xF7A, s2;
	p2 =	seq.s32 @!p0 s5, $0x0  }
0x1f: {  	s9 =	smul.u32 $0xF7A, s1;
	s8 =	simm.s32 @!p0 $0x1BF5;
	p2 =	por !p2, p0  }
0x20: {  	[sflag:s8] =	ssyncset.s32 @!p0 $0xFFFFF086;
	s6 =	sadd.s32 @!p0 s3, s7;
	s7 =	simm.s32 @!p0 $0x108  }
0x21: {  	s3 =	sadd.s32 s3, s9;
	s6 =	sadd.s32 @!p0 $0x88, s6;
	s7 =	simm.s32 @p2 $0x1082  }
0x22: {  	[simem:s7], [sflag:s8] =	dma.local @!p0 [hbm:s6], $0xF7A  }
0x23: {  	s9 =	sor.u32 $0xD0000000, s2;
	s6 =	simm.s32 $0x108;
	_ =	swait.ge @!p0 [sflag:s8], $0x0  }
0x24: {  	s3 =	sadd.s32 $0x88, s3;
	s6 =	simm.s32 @!p1 $0x1082;
	[sflag:s4] =	ssyncset.s32 $0xFFFFF086  }
0x25: {  	[simem:s6], [sflag:s4] =	dma.local [hbm:s3], $0xF7A  }
0x26: {  	[smem:$0x3F9E] =	sst s1;
	(tag) =	ssettag s2;
	_ =	strace s9  }
0x27: {  	s1 =	sld [smem:$0x3FAE]  }
0x28: {  	s2 =	sld [smem:$0x3FAF]  }
0x29: {  	s4 =	sld [smem:$0x3FB1]  }
0x2a: {  	p0 =	seq.s32 s5, $0x0;
	s5 =	sld [smem:$0x3FB2]  }
0x2b: {  	s6 =	sld [smem:$0x3FB3]  }
0x2c: {  	s7 =	sld [smem:$0x3FB4]  }
0x2d: {  	s3 =	simm.s32 $0x108;
	s8 =	sld [smem:$0x3FB5]  }
0x2e: {  	s3 =	simm.s32 @!p0 $0x1082;
	s9 =	sld [smem:$0x3FB6]  }
0x2f: {  	lr =	sadd.s32 s0, s3;
	s0 =	sld [smem:$0x3FAD]  }
0x30: {  	s3 =	sld [smem:$0x3FB0]  }
0x31: {  	[smem:$0x3FB9] =	sst s10  }
0x32: {  	s10 =	sld [smem:$0x3FB7];
	_ =	sdelay $0x3  }
0x33: {  	p0 =	seq.s32 s10, $0x1;
	s10 =	sld [smem:$0x3FB9];
	_ =	sdelay $0x3  }
0x34: {  	[smem:$0x3FB9] =	sst s10  }
0x35: {  	s10 =	sld [smem:$0x3FB8];
	_ =	sdelay $0x3  }
0x36: {  	p1 =	seq.s32 s10, $0x1;
	s10 =	sld [smem:$0x3FB9];
	_ =	sdelay $0x3  }
0x37: {  	[smem:$0x3FB9] =	sst s10  }
0x38: {  	s10 =	sld [smem:$0x3FBA]  }
0x39: {  	_ = 	snop;
	(pc) =	sbr.ind lr, $3  }
0x3a: {  	_ = 	snop  }
0x3b: {  	_ = 	snop  }
0x3c: {  	p2 =	seq.s32 s10, $0x1;
	s10 =	sld [smem:$0x3FB9]  }
0x3d: {  	_ =	shalt  }
0x3e: {  	_ =	shalt  }
0x3f: {  	_ =	shalt  }
0x40: {  	_ =	shalt  }
0x41: {  	_ =	shalt  }
0x42: {  	_ =	shalt  }
0x43: {  	_ =	shalt  }
0x44: {  	_ =	shalt  }
0x45: {  	_ =	shalt  }
0x46: {  	_ =	shalt  }
0x47: {  	_ =	shalt  }
0x48: {  	_ =	shalt  }
0x49: {  	_ =	shalt  }
0x4a: {  	_ =	shalt  }
0x4b: {  	_ =	shalt  }
0x4c: {  	_ =	shalt  }
0x4d: {  	_ =	shalt  }
0x4e: {  	_ =	shalt  }
0x4f: {  	_ =	shalt  }
0x50: {  	_ =	shalt  }
0x51: {  	_ =	shalt  }
0x52: {  	_ =	shalt  }
0x53: {  	_ =	shalt  }
0x54: {  	_ =	shalt  }
0x55: {  	_ =	shalt  }
0x56: {  	_ =	shalt  }
0x57: {  	_ =	shalt  }
0x58: {  	_ =	shalt  }
0x59: {  	_ =	shalt  }
0x5a: {  	_ =	shalt  }
0x5b: {  	_ =	shalt  }
0x5c: {  	_ =	shalt  }
0x5d: {  	_ =	shalt  }
0x5e: {  	_ =	shalt  }
0x5f: {  	_ =	shalt  }
0x60: {  	_ =	shalt  }
0x61: {  	_ =	shalt  }
0x62: {  	_ =	shalt  }
0x63: {  	_ =	shalt  }
0x64: {  	_ =	shalt  }
0x65: {  	_ =	shalt  }
0x66: {  	_ =	shalt  }
0x67: {  	_ =	shalt  }
0x68: {  	_ =	shalt  }
0x69: {  	_ =	shalt  }
0x6a: {  	_ =	shalt  }
0x6b: {  	_ =	shalt  }
0x6c: {  	_ =	shalt  }
0x6d: {  	_ =	shalt  }
0x6e: {  	_ =	shalt  }
0x6f: {  	_ =	shalt  }
0x70: {  	_ =	shalt  }
0x71: {  	_ =	shalt  }
0x72: {  	_ =	shalt  }
0x73: {  	_ =	shalt  }
0x74: {  	_ =	shalt  }
0x75: {  	_ =	shalt  }
0x76: {  	_ =	shalt  }
0x77: {  	_ =	shalt  }
0x78: {  	_ =	shalt  }
0x79: {  	_ =	shalt  }
0x7a: {  	_ =	shalt  }
0x7b: {  	_ =	shalt  }
0x7c: {  	_ =	shalt  }
0x7d: {  	_ =	shalt  }
0x7e: {  	_ =	shalt  }
0x7f: {  	_ =	shalt  }
0x80: {  	_ =	shalt  }
0x81: {  	_ =	shalt  }
0x82: {  	_ =	shalt  }
0x83: {  	_ =	shalt  }
0x84: {  	_ =	shalt  }
0x85: {  	_ =	shalt  }
0x86: {  	_ =	shalt  }
0x87: {  	_ =	shalt  }
.Lfunc_end0:
.L_simem_size_0:
called_computation_lowered:
.L_overlay_start_0:
0x88: {  	s0 =	sld [smem:$0x3FD9]  }
0x89: {  	s1 =	sld [smem:$0x3FFE];
	_ =	sdelay $0x3  }
0x8a: {  	s0 =	sadd.s32 s1, s0  }
0x8b: {  	[smem:$0x3FC5] =	sst s0  }
0x8c: {  	_ = 	snop  }
0x8d: {  	s0 =	sld [smem:$0x3FD0];
	(tm) =	ssettm $0x1  }
0x8e: {  	s16 =	sld [smem:$0x3FFB];
	_ =	sdelay $0x3  }
0x8f: {  	_ =	strace s16  }
0x90: {  	s1 =	sld [smem:$0x3FFC];
	_ =	sdelay $0x3  }
0x91: {  	_ =	strace s1  }
0x92: {  	s1 =	sld [smem:$0x3FFD];
	_ =	sdelay $0x3  }
0x93: {  	_ =	strace s1  }
0x94: {  	_ =	strace $0x8FFFFFFF  }
0x95: {  	s17 =	sld [smem:$0x3FDB];
	_ =	sdelay $0x1  }
0x96: {  	s2 =	simm.s32 $_scs_section_size  }
0x97: {  	s3 =	simm.s32 $_size__tile_overlayer_lowered;
	s4 =	simm.s32 $_tile_overlayer_lowered  }
0x98: {  	s20 =	simm.s32 $0x1BFF;
	s19 =	sshll.u32 s4, $0x1;
	s1 =	sadd.s32 s2, s17  }
0x99: {  	s5 =	simm.s32 $0x0;
	s18 =	sshll.u32 s3, $0x1;
	s3 =	sadd.s32 s19, s1  }
0x9a: {  	[timem:s5], [sflag:s20] =	dma.local [hbm:s3], s18  }
0x9b: {  	_ =	swait.ge [sflag:s20], s18  }
0x9c: {  	s2 =	ssub.s32 $0x0, s18;
	[sflag:s20] =	ssyncset.done $0x0  }
0x9d: {  	[sflag:s20] =	ssyncadd.s32 s2;
	_ =	sdelay $0x1  }
0x9e: {  	s21 =	simm.s32 $0x1B8B  }
0x9f: {  	_ =	swait.ge [sflag:s21], $0x1  }
0xa0: {  	[sflag:s21] =	ssyncset.done $0x0  }
0xa1: {  	s23 =	simm.s32 $0x1B8E;
	s22 =	sld [smem:$0x3FFE];
	[sflag:s21] =	ssyncadd.s32 $0xFFFFFFFF  }
0xa2: {  	s24 =	simm.s32 $execute0_lowered;
	[smem:$0x3FD2] =	sst s23  }
0xa3: {  	s3 =	sshll.u32 s24, $0x1;
	_ =	strace $0x80000046;
	[dreg:$0x1] =	wrdreg $0xFFFFFFFF  }
0xa4: {  	s25 =	simm.s32 $_size_execute0_lowered;
	s1 =	sadd.s32 s1, s3;
	[dreg:$0x0] =	wrdreg $0x0  }
0xa5: {  	s3 =	sshll.u32 s25, $0x1;
	[dreg:$0x2] =	wrdreg s1  }
0xa6: {  	[dreg:$0x3] =	wrdreg s3  }
0xa7: {  	[dreg:$0x4] =	wrdreg $0xC0  }
0xa8: {  	_ =	task [dreg:s5], $0x5FFFF  }
0xa9: {  	[dreg:$0x1] =	wrdreg $0xFFFFFFFF  }
0xaa: {  	[dreg:$0x0] =	wrdreg $0x60  }
0xab: {  	[dreg:$0x2] =	wrdreg s22  }
0xac: {  	[dreg:$0x3] =	wrdreg s0  }
0xad: {  	[dreg:$0x4] =	wrdreg $0x10780  }
0xae: {  	[dreg:$0x5] =	wrdreg $0x10880  }
0xaf: {  	[dreg:$0x6] =	wrdreg $0x9  }
0xb0: {  	_ =	task.clear_ibuf [dreg:s5], $0x7FFFF;
	_ =	strace $0x90000046  }
0xb1: {  	s26 =	simm.s32 $0x9;
	_ =	strace $0x80000048  }
0xb2: {  	_ =	swait.ge [sflag:s26], $0x1  }
0xb3: {  	[sflag:s26] =	ssyncadd.s32 $0xFFFFFFFF  }
0xb4: {  	_ =	strace $0x90000048  }
0xb5: {  	_ =	sfence  }
0xb6: {  	s28 =	sld [smem:$0x0];
	_ =	sdelay $0x1  }
0xb7: {  	s29 =	srdreg.scid  }
0xb8: {  	s30 =	sshll.u32 s29, $0xD;
	s31 =	sshrl.u32 s29, $0x2  }
0xb9: {  	s2 =	sand.u32 $0x4000, s30;
	s1 =	sand.u32 $0x1, s29;
	s0 =	sadd.s32 s31, s28  }
0xba: {  	s1 =	sor.u32 s2, s1;
	s0 =	sshll.u32 s0, $0x11  }
0xbb: {  	s0 =	sor.u32 s0, s1  }
0xbc: {  	s0 =	sadd.s32 $0x8F2B, s0  }
0xbd: {  	[sflag:s0] =	ssyncadd.remote.s32 $0x1  }
0xbe: {  	_ =	sfence.sel $0xFFFF  }
0xbf: {  	[dreg:$0x0] =	wrdreg $0xFFFFFFFF;
	(pc) =	sbr.abs _section_cstart, $3  }
0xc0: {  	[dreg:$0x1] =	wrdreg $0xFFFFFFFF  }
0xc1: {  	_ =	task.clear_ibuf [dreg:s5], $0x2FFFF;
	_ =	strace $0x9FFFFFFF  }
0xc2: {  	(tm) =	ssettm $0x7FFFFFFF  }
0xc3: {  	_ =	shalt  }
tec
execute0_lowered:
.L_overlay_start_1:
0x0: {  	(tag) =	ssettag $0x1  }
0x1: {  	s0 =	stileid.u32  }
0x2: {  	s5 =	sand.u32 $0x3, s0  }
0x3: {  	s8 =	rddreg [dreg:$0x0];
	s3 =	sshrl.u32 s0, $0x2;
	s9 =	smul.u32 $0x1068, s5  }
0x4: {  	s2 =	rddreg [dreg:$0x1];
	s1 =	smul.u32 $0x8340, s3  }
0x5: {  	s6 =	rddreg [dreg:$0x2]  }
0x6: {  	s4 =	rddreg [dreg:$0x3];
	s7 =	simm.s32 $0x0;
	s10 =	sadd.s32 s9, s1  }
0x7: {  	s26 =	simm.s32 $0x10;
	s28 =	simm.s32 $0x0;
	s10 =	sshrl.u32 s10, $0x3  }
0x8: {  	v10 =	vlaneseq.u32;
	s29 =	simm.s32 $0x1;
	[smem:$0x7FF] =	sst s7;
	s8 =	sadd.s32 s8, s10  }
0x9: {  	v1 =	vor.u32 s26, v10;
	s1 =	rddreg [dreg:$0x4];
	_ =	strace $0x80000047;
	s8 =	sadd.s32 $0x1234, s8  }
0xa: {  	v2 =	vor.u32 s28, v10;
	[tilespmem:s7], [sflag:$0x1] =	stream.linear.gather [hbm4b:s8+s7], $0x106C, $0x38;
	[tilespmem:$0x1138] =	vst v63  }
0xb: {  	_ =	swait.ge [sflag:s29], $0x106C  }
0xc: {  	[sflag:s29] =	ssyncset.done $0x0  }
0xd: {  	s30 =	simm.s32 $0x30;
	[sflag:s29] =	ssyncadd.s32 $0xFFFFEF94  }
0xe: {  	s31 =	simm.s32 $0x20;
	v6 =	vor.u32 s30, v10;
	v13 =	vld.idx.msk [tilespmem:v1+s7+$0x0], $0xffff  }
0xf: {  	v12 =	vor.u32 s31, v10;
	v11 =	vld.idx.msk [tilespmem:v2+s7+$0x0], $0xffff;
	_ =	sdelay $0x1  }
0x10: {  	v5 =	vimm.f32 $-Inf;
	v4 =	vimm.s32 $0x0;
	v0 =	vmov s9  }
0x11: {  	v9 =	vimm.f32 $-Inf;
	v8 =	vadd.s32 v0, v2;
	v3 =	vadd.s32 v0, v1  }
0x12: {  	s8 =	simm.s32 $0x50;
	v2 =	vadd.s32 v0, v12;
	v1 =	vadd.s32 v0, v6;
	v7 =	vld.idx.msk [tilespmem:v6+s7+$0x0], $0xffff;
	v6 =	vimm.s32 $0x0  }
.LBB2_1:
0x13: {  	s9 =	sadd.s32 $0xFFFFFFF0, s8;
	v14 =	vor.u32 s8, v10;
	p0 =	sne.s32 s8, $0x1050;
	s8 =	sadd.s32 $0x20, s8;
	vm0 =	vgt.f32 v11, $0.0e+00;
	vm1 =	vgt.f32 v13, $0.0e+00;
	v15 =	vmovc v11;
	v11 =	vld.idx.msk [tilespmem:v12+s7+$0x0], $0xffff  }
.Ltmp0:
0x14: {  	v12 =	vor.u32 s9, v10;
	v15 =	vnsel vm0, $0xFF800000, v15;
	v13 =	vnsel vm1, $0xFF800000, v13;
	(pc) =	sbr.rel @p0 .LBB2_1-.Ltmp0, $4  }
0x15: {  	v16 =	vadd.s32 v0, v12;
	vm0 =	vgt.f32 v15, v5;
	vm1 =	vgt.f32 v13, v9  }
0x16: {  	v5 =	vsel vm0, v15, v5;
	v4 =	vsel vm0, v8, v4;
	v9 =	vsel vm1, v13, v9;
	v8 =	vmovc v2  }
0x17: {  	v6 =	vsel vm1, v3, v6;
	v2 =	vmovc v16;
	v3 =	vmov v1;
	v1 =	vadd.s32 v0, v14  }
0x18: {  	v13 =	vmov v7;
	v7 =	vld.idx.msk [tilespmem:v14+s7+$0x0], $0xffff  }
0x19: {  	v10 =	vimm.s32 $0x1067;
	vm0 =	vcmask $0x300  }
0x1a: {  	vm9 =	vcmask $0x704;
	v10 =	vsel vm0, $0x1060, v10  }
0x1b: {  	vm10 =	vcmask $0xB08;
	v10 =	vsel vm9, $0x1061, v10  }
0x1c: {  	vm11 =	vcmask $0xF0C;
	v10 =	vsel vm10, $0x1062, v10  }
0x1d: {  	vm12 =	vcmask $0x1310;
	v10 =	vsel vm11, $0x1063, v10  }
0x1e: {  	vm13 =	vcmask $0x1714;
	v10 =	vsel vm12, $0x1064, v10  }
0x1f: {  	vm14 =	vcmask $0x1B18;
	v10 =	vsel vm13, $0x1065, v10  }
0x20: {  	v12 =	vld.idx.msk [tilespmem:v12+s7+$0x0], $0xffff;
	v10 =	vsel vm14, $0x1066, v10  }
0x21: {  	vm15 =	vgt.f32 v11, $0.0e+00  }
0x22: {  	vm4 =	vgt.f32 v13, $0.0e+00;
	v59 =	vlaneseq.u32;
	v11 =	vnsel vm15, $0xFF800000, v11  }
0x23: {  	vm3 =	vmmov $0xff;
	v13 =	vnsel vm4, $0xFF800000, v13;
	vm5 =	vgt.f32 v11, v5  }
0x24: {  	s28 =	simm.s32 $0x0;
	vm1 =	vgt.f32 v13, v9;
	v5 =	vsel vm5, v11, v5;
	vm2 =	vgt.f32 v7, $0.0e+00  }
0x25: {  	v57 =	vsel vm1, v13, v9;
	vm6 =	vgt.f32 v12, $0.0e+00;
	v7 =	vnsel vm2, $0xFF800000, v7;
	v10 =	vld.idx.msk [tilespmem:v10+s28+$0x0], $0xffff  }
0x26: {  	v4 =	vsel vm5, v8, v4;
	v58 =	vnsel vm6, $0xFF800000, v12;
	vm7 =	vgt.f32 v7, v57  }
0x27: {  	v3 =	vsel vm1, v3, v6;
	vm0 =	vgt.f32 v58, v5;
	v60 =	vsel vm7, v7, v57  }
0x28: {  	v1 =	vsel vm7, v1, v3;
	v5 =	vsel vm0, v58, v5;
	v2 =	vsel vm0, v2, v4  }
0x29: {  	v61 =	vor.u32 $0x1060, v59;
	vm9 =	veq.f32 v60, v5;
	vm10 =	vlt.s32 v1, v2  }
0x2a: {  	vm8 =	vgt.f32 v60, v5;
	vm1 =	vmand vm9, vm10;
	vm11 =	vgt.f32 v10, $0.0e+00  }
0x2b: {  	v0 =	vadd.s32 v61, v0;
	vm0 =	vmor vm8, vm1;
	vm12 =	vmand vm11, vm3  }
0x2c: {  	v62 =	vsel vm0, v60, v5;
	v1 =	vsel vm0, v1, v2;
	v63 =	vnsel vm12, $0xFF800000, v10  }
0x2d: {  	vm14 =	vlt.s32 v0, v1;
	vm13 =	veq.f32 v63, v62  }
0x2e: {  	vm15 =	vgt.f32 v63, v62;
	vm0 =	vmand vm14, vm13  }
0x2f: {  	vm0 =	vmor vm15, vm0  }
0x30: {  	v2 =	vsel vm0, v63, v62  }
0x31: {  	s29 =	sshll.u32 s0, $0x4;
	v0 =	vsel vm0, v0, v1;
	[tilespmem:$0x1118] =	vst v2  }
0x32: {  	s9 =	simm.s32 $0x1118;
	s30 =	simm.s32 $0x1;
	s8 =	sadd.s32 s29, s6;
	[tilespmem:$0x1128] =	vst v0  }
0x33: {  	[spmem:s8] =	stream.linear.scatter [tilespmem:s9], [sflag:$0x1], $0x10, $0x38;
	[tilespmem:$0x1138] =	vst v63  }
0x34: {  	_ =	swait.ge [sflag:s30], $0x10  }
0x35: {  	[sflag:s30] =	ssyncset.done $0x0  }
0x36: {  	s31 =	simm.s32 $0x1128;
	s7 =	sadd.s32 s29, s4;
	[sflag:s30] =	ssyncadd.s32 $0xFFFFFFF0  }
0x37: {  	[spmem:s7] =	stream.linear.scatter [tilespmem:s31], [sflag:$0x1], $0x10, $0x38;
	[tilespmem:$0x1138] =	vst v63  }
0x38: {  	_ =	swait.ge [sflag:s30], $0x10  }
0x39: {  	p0 =	sne.s32 s5, $0x0;
	[sflag:s30] =	ssyncset.done $0x0  }
0x3a: {  	s5 =	sshll.u32 @!p0 s3, $0x6;
	[sflag:s30] =	ssyncadd.s32 $0xFFFFFFF0  }
0x3b: {  	s6 =	sadd.s32 @!p0 s5, s6;
	s7 =	simm.s32 @!p0 $0x1098;
	[bflag:$0x0] =	sbarrier.arrive $0xFFFF  }
0x3c: {  	[tilespmem:s7], [sflag:$0x1] =	stream.linear.gather @!p0 [spmem:s6], $0x40, $0x38;
	[tilespmem:$0x1138] =	vst v63  }
0x3d: {  	s6 =	simm.s32 @!p0 $0x1  }
0x3e: {  	_ =	swait.ge @!p0 [sflag:s6], $0x40  }
0x3f: {  	[sflag:s6] =	ssyncset.done @!p0 $0x0  }
0x40: {  	s4 =	sadd.s32 @!p0 s5, s4;
	s5 =	simm.s32 @!p0 $0x10D8;
	[sflag:s6] =	ssyncadd.s32 @!p0 $0xFFFFFFC0  }
0x41: {  	[tilespmem:s5], [sflag:$0x1] =	stream.linear.gather @!p0 [spmem:s4], $0x40, $0x38;
	[tilespmem:$0x1138] =	vst v63  }
0x42: {  	_ =	swait.ge @!p0 [sflag:s6], $0x40  }
0x43: {  	[sflag:s6] =	ssyncset.done @!p0 $0x0  }
0x44: {  	[sflag:s6] =	ssyncadd.s32 @!p0 $0xFFFFFFC0  }
0x45: {  	v0 =	vld @!p0 [tilespmem:$0x1098]  }
0x46: {  	v1 =	vld @!p0 [tilespmem:$0x10D8]  }
0x47: {  	v2 =	vld @!p0 [tilespmem:$0x10A8]  }
0x48: {  	v3 =	vld @!p0 [tilespmem:$0x10E8];
	_ =	sdelay $0x2  }
0x49: {  	v4 =	vld @!p0 [tilespmem:$0x10B8]  }
0x4a: {  	v5 =	vld @!p0 [tilespmem:$0x10F8]  }
0x4b: {  	vm0 =	veq.f32 @!p0 v2, v0;
	vm1 =	vlt.s32 @!p0 v3, v1  }
0x4c: {  	vm2 =	vgt.f32 @!p0 v2, v0;
	vm0 =	vmand @!p0 vm0, vm1  }
0x4d: {  	v6 =	vld @!p0 [tilespmem:$0x10C8];
	vm0 =	vmor @!p0 vm2, vm0  }
0x4e: {  	v0 =	vsel @!p0 vm0, v2, v0;
	v1 =	vsel @!p0 vm0, v3, v1;
	v2 =	vld @!p0 [tilespmem:$0x1108]  }
0x4f: {  	vm0 =	veq.f32 @!p0 v4, v0;
	vm1 =	vlt.s32 @!p0 v5, v1  }
0x50: {  	vm2 =	vgt.f32 @!p0 v4, v0;
	vm0 =	vmand @!p0 vm0, vm1  }
0x51: {  	vm0 =	vmor @!p0 vm2, vm0  }
0x52: {  	v0 =	vsel @!p0 vm0, v4, v0;
	v1 =	vsel @!p0 vm0, v5, v1  }
0x53: {  	vm0 =	veq.f32 @!p0 v6, v0;
	vm1 =	vlt.s32 @!p0 v2, v1  }
0x54: {  	vm2 =	vgt.f32 @!p0 v6, v0;
	vm0 =	vmand @!p0 vm0, vm1  }
0x55: {  	vm0 =	vmor @!p0 vm2, vm0  }
0x56: {  	v0 =	vsel @!p0 vm0, v6, v0  }
0x57: {  	(xrf0) =	vmax.scan.msk.f32 @!p0 $0xffff, v0;
	_ =	sdelay $0x5  }
0x58: {  	v3, _, _ =	vpop @!p0 (xrf0)  }
0x59: {  	v3 =	vbroadcast @!p0 v3, $0xF  }
0x5a: {  	v1 =	vsel @!p0 vm0, v2, v1  }
0x5b: {  	vm0 =	veq.f32 @!p0 v0, v3;
	v0 =	vxor.u32 @!p0 $0x80000000, v1  }
0x5c: {  	v0 =	vnsel @!p0 vm0, $0xFFFFFFFF, v0  }
0x5d: {  	(xrf0) =	vmin.scan.msk.u32 @!p0 $0xffff, v0;
	_ =	sdelay $0x5  }
0x5e: {  	v0, _, _ =	vpop @!p0 (xrf0)  }
0x5f: {  	(v2sf) =	vpush @!p0 v0, $0xF;
	_ =	sdelay $0xe  }
0x60: {  	s4 =	spop @!p0 (v2sf)  }
0x61: {  	s4 =	sxor.u32 @!p0 $0x80000000, s4  }
0x62: {  	s3 =	sshll.u32 @!p0 s3, $0x1;
	v0 =	vmov @!p0 s4  }
0x63: {  	s2 =	sadd.s32 @!p0 s2, s3;
	s3 =	simm.s32 @!p0 $0x0;
	s4 =	simm.s32 @!p0 $0x1128;
	[tilespmem:$0x1128] =	vst @!p0 v0  }
0x64: {  	[hbm4b:s2+s3] =	stream.linear.scatter @!p0 [tilespmem:s4], [sflag:$0x1], $0x10, $0x38;
	[tilespmem:$0x1138] =	vst v63  }
0x65: {  	_ =	swait.ge @!p0 [sflag:s6], $0x10  }
0x66: {  	[sflag:s6] =	ssyncset.done @!p0 $0x0  }
0x67: {  	[sflag:s6] =	ssyncadd.s32 @!p0 $0xFFFFFFF0  }
0x68: {  	_ =	sfence.sel $0x180000  }
0x69: {  	[bflag:$0x0] =	sbarrier.arrive $0xFFFF  }
0x6a: {  	p0 =	sne.s32 s0, $0x0;
	_ =	strace $0x90000047  }
0x6b: {  	s0 =	sadd.s32 @!p0 $0x100000, s1;
	[bflag:$0x2] =	sbarrier.arrive $0xFFFF  }
0x6c: {  	[sflag:s0] =	ssyncadd.tile.s32 @!p0 $0x1;
	_ =	shalt  }
.Lfunc_end2:
_tile_overlayer_lowered:
.L_overlay_start_2:
0x6d: {  	(tag) =	ssettag $0x2  }
0x6e: {  	s0 =	rddreg [dreg:$0x0];
	s2 =	stileid.u32  }
0x6f: {  	s1 =	rddreg [dreg:$0x1];
	p0 =	sne.s32 s2, $0x0  }
0x70: {  	s3 =	rddreg [dreg:$0x2];
	[bflag:$0x3] =	sbarrier.arrive $0xFFFF;
	s2 =	simm.s32 @!p0 $0x1C01  }
0x71: {  	[timem:s3], [sflag:s2] =	dma.local @!p0 [hbm:s0], s1  }
0x72: {  	s0 =	simm.s32 @!p0 $0x1  }
0x73: {  	_ =	swait.ge @!p0 [sflag:s0], s1  }
0x74: {  	s1 =	ssub.s32 @!p0 $0x0, s1;
	[sflag:s0] =	ssyncset.done @!p0 $0x0  }
0x75: {  	[sflag:s0] =	ssyncadd.s32 @!p0 s1  }
0x76: {  	[bflag:$0x3] =	sbarrier.arrive $0xFFFF  }
0x77: {  	_ =	shalt  }

</sc_bundles>
